<compile_context>
chip_gen: v7x
topology: tpu7x:2x2x1
jax: 0.10.2.dev20260603
libtpu: 0.0.44.dev20260713+nightly
codegen_flags: <defaults>
</compile_context>

<pallas_src>
import functools

import jax
import jax.numpy as jnp
from jax import lax
from jax.experimental import pallas as pl
from jax.experimental.pallas import tpu as pltpu
from jax.experimental.pallas import tpu_sc as plsc

_DIM = 32
_K = 8192
_BM = 256


def _half_argmin(v):
    nch = v.shape[1] // 128
    best = v[:, 0:128]
    bj = jnp.zeros((_BM, 128), jnp.int32)
    for j in range(1, nch):
        c = v[:, j * 128:(j + 1) * 128]
        m = c < best
        best = jnp.where(m, c, best)
        bj = jnp.where(m, j, bj)
    rowmin = jnp.min(best, axis=1, keepdims=True)
    lane = lax.broadcasted_iota(jnp.int32, (_BM, 128), 1)
    cand = jnp.where(best == rowmin, bj * 128 + lane, _K)
    return rowmin[:, 0], jnp.min(cand, axis=1)


def _argmin_body(x_ref, et_ref, idx_ref):
    xb = x_ref[...]
    et = et_ref[...]
    mm = jnp.dot(xb, et, preferred_element_type=jnp.float32)
    x2 = jnp.sum(xb * xb, axis=1, keepdims=True)
    e2 = jnp.sum(et * et, axis=0, keepdims=True)
    v = (x2 - 2.0 * mm) + e2
    half = _K // 2
    m1, i1 = _half_argmin(v[:, :half])
    m2, i2 = _half_argmin(v[:, half:])
    m1b = m1.astype(jnp.bfloat16).astype(jnp.float32)
    idx = jnp.where(m2 < m1b, i2 + half, i1)
    idx_ref[...] = idx.astype(jnp.int32)


def _nearest_idx(flat, embed_t):
    m = flat.shape[0]
    return pl.pallas_call(
        _argmin_body,
        grid=(m // _BM,),
        in_specs=[
            pl.BlockSpec((_BM, _DIM), lambda i: (i, 0)),
            pl.BlockSpec((_DIM, _K), lambda i: (0, 0)),
        ],
        out_specs=pl.BlockSpec((_BM,), lambda i: (i,)),
        out_shape=jax.ShapeDtypeStruct((m,), jnp.int32),
        compiler_params=pltpu.CompilerParams(
            dimension_semantics=("arbitrary",),
        ),
    )(flat, embed_t)


def _gather_rows(embed, idx_flat):
    info = plsc.get_sparse_core_info()
    nw = info.num_cores * info.num_subcores
    b = idx_flat.shape[0]
    bpw = b // nw
    nchunk = bpw // 128
    mesh = plsc.VectorSubcoreMesh(core_axis_name="c", subcore_axis_name="s")

    @functools.partial(
        pl.kernel,
        mesh=mesh,
        out_type=jax.ShapeDtypeStruct((b, _DIM), jnp.float32),
        scratch_types=[
            pltpu.VMEM((nchunk, 128), jnp.int32),
            pltpu.VMEM((bpw, _DIM), jnp.float32),
            pltpu.SemaphoreType.DMA,
        ],
        compiler_params=pltpu.CompilerParams(use_tc_tiling_on_sc=False),
    )
    def gk(table_hbm, idx_hbm, out_hbm, idx_v, rows_v, sem):
        wid = lax.axis_index("c") * info.num_subcores + lax.axis_index("s")
        base = wid * bpw
        for j in range(nchunk):
            pltpu.sync_copy(idx_hbm.at[pl.ds(base + j * 128, 128)],
                            idx_v.at[j])
        copies = [
            pltpu.async_copy(table_hbm.at[idx_v.at[j]],
                             rows_v.at[pl.ds(j * 128, 128)], sem)
            for j in range(nchunk)
        ]
        for c in copies:
            c.wait()
        pltpu.sync_copy(rows_v, out_hbm.at[pl.ds(base, bpw)])

    return gk(embed, idx_flat)


def kernel(x, embed):
    shape = x.shape
    flat = x.reshape(-1, shape[-1])
    idx_flat = _nearest_idx(flat, embed.T)
    quant = _gather_rows(embed, idx_flat)
    return (quant.reshape(shape), idx_flat.reshape(shape[:-1]))

# --- scband reference (transcript-rebuilt; emitter-appended) ---
"""Pipeline reference for scband-euclidean-codebook-32323923870089 (READ-ONLY COPY).

The authoritative reference and input builder live on the scoring server;
editing this copy changes nothing except your own understanding.
"""

import jax, jax.numpy as jnp
import numpy as np

DIM = 32
CODEBOOK_SIZE = 8192

def setup_inputs(seed: int = 0) -> dict:
    key = jax.random.key(seed)
    k1, k2 = jax.random.split(key)
    x = jax.random.normal(k1, (16, 1024, DIM), dtype=jnp.float32)
    # torch nn.init.kaiming_uniform_ default: gain=sqrt(2), bound = gain*sqrt(3/fan_in)
    bound = float(np.sqrt(2.0) * np.sqrt(3.0 / DIM))
    embed = jax.random.uniform(k2, (CODEBOOK_SIZE, DIM), dtype=jnp.float32, minval=-bound, maxval=bound)
    return {"x": x, "embed": embed}

def reference(x, embed):
    # Faithful inference-mode forward of _EuclideanCodebook (inited=True, eval: no EMA update)
    shape = x.shape
    flat = x.reshape(-1, shape[-1])  # preprocess: flatten(0, -2)
    embed_t = embed.T  # [dim, K]
    # dist = -(||x||^2 - 2 x @ e^T + ||e||^2)
    dist = -(jnp.sum(flat * flat, axis=1, keepdims=True)
             - 2.0 * (flat @ embed_t)
             + jnp.sum(embed_t * embed_t, axis=0, keepdims=True))
    embed_ind_flat = jnp.argmax(dist, axis=-1)  # dist.max(dim=-1).indices
    embed_ind = embed_ind_flat.reshape(shape[:-1])  # postprocess_emb
    quantize = jnp.take(embed, embed_ind, axis=0)  # dequantize: F.embedding
    return (quantize, embed_ind)

if __name__ == "__main__":
    import jax
    _d = setup_inputs()
    print(jax.jit(kernel)(*tuple(_d.values())))

</pallas_src>

<mosaic_0001>
#map = affine_map<(d0, d1) -> (0, 0)>
#map1 = affine_map<(d0, d1) -> (0)>
module attributes {stable_mosaic.version = 14 : i64} {
  func.func @gk(%arg0: i32, %arg1: i32, %arg2: memref<8192x32xf32, #tpu.memory_space<hbm>>, %arg3: memref<16384xi32, #tpu.memory_space<hbm>>, %arg4: memref<16384x32xf32, #tpu.memory_space<hbm>>, %arg5: memref<4x128xi32, #tpu.memory_space<vmem>>, %arg6: memref<512x32xf32, #tpu.memory_space<vmem>>, %arg7: memref<!tpu.dma_semaphore, #tpu.memory_space<semaphore_mem>>) attributes {dimension_semantics = [#tpu.dimension_semantics<core_parallel>, #tpu.dimension_semantics<subcore_parallel>], iteration_bounds = array<i64: 2, 16>, scalar_prefetch = 0 : i64, scratch_operands = 3 : i64, tpu.core_type = #tpu.core_type<sc_vector_subcore>, window_params = [{transform_indices = #map}, {transform_indices = #map1}, {transform_indices = #map}]} {
    %mul3A = arith.constant 16 : i32
    %mul3A_0 = arith.muli %arg0, %mul3A : i32
    %add3A = arith.addi %mul3A_0, %arg1 : i32
    %mul3A_1 = arith.constant 512 : i32
    %mul3A_2 = arith.muli %add3A, %mul3A_1 : i32
    %add3A_3 = arith.constant 0 : i32
    %add3A_4 = arith.addi %mul3A_2, %add3A_3 : i32
    %run_scoped3A = arith.constant 0 : i32
    "tpu.region"() ({
      %run_scoped3A_92 = tpu.sem_alloc : memref<!tpu.dma_semaphore, #tpu.memory_space<semaphore_mem>>
      %dma_start3A_93 = arith.constant 0 : i32
      %dma_start3A_94 = tpu.memref_slice %arg5[%run_scoped3A, %dma_start3A_93] : memref<4x128xi32, #tpu.memory_space<vmem>> -> memref<1x128xi32, #tpu.memory_space<vmem>>
      %dma_start3A_95 = tpu.memref_squeeze %dma_start3A_94 : memref<1x128xi32, #tpu.memory_space<vmem>> -> memref<128xi32, #tpu.memory_space<vmem>>
      %dma_start3A_96 = tpu.memref_slice %arg3[%add3A_4] : memref<16384xi32, #tpu.memory_space<hbm>> -> memref<128xi32, #tpu.memory_space<hbm>>
      %dma_start3A_97 = arith.constant 0 : i32
      %dma_start3A_98 = tpu.memref_slice %arg5[%run_scoped3A, %dma_start3A_97] : memref<4x128xi32, #tpu.memory_space<vmem>> -> memref<1x128xi32, #tpu.memory_space<vmem>>
      %dma_start3A_99 = tpu.memref_squeeze %dma_start3A_98 : memref<1x128xi32, #tpu.memory_space<vmem>> -> memref<128xi32, #tpu.memory_space<vmem>>
      %dma_start3A_100 = tpu.memref_slice %arg3[%add3A_4] : memref<16384xi32, #tpu.memory_space<hbm>> -> memref<128xi32, #tpu.memory_space<hbm>>
      tpu.enqueue_dma source(%dma_start3A_100 : memref<128xi32, #tpu.memory_space<hbm>>) target(%dma_start3A_99 : memref<128xi32, #tpu.memory_space<vmem>>) target_semaphore(%run_scoped3A_92 : memref<!tpu.dma_semaphore, #tpu.memory_space<semaphore_mem>>)
      %dma_wait3A_101 = arith.constant 0 : i32
      %dma_wait3A_102 = tpu.memref_slice %arg5[%run_scoped3A, %dma_wait3A_101] : memref<4x128xi32, #tpu.memory_space<vmem>> -> memref<1x128xi32, #tpu.memory_space<vmem>>
      %dma_wait3A_103 = tpu.memref_squeeze %dma_wait3A_102 : memref<1x128xi32, #tpu.memory_space<vmem>> -> memref<128xi32, #tpu.memory_space<vmem>>
      %dma_wait3A_104 = tpu.memref_slice %arg3[%add3A_4] : memref<16384xi32, #tpu.memory_space<hbm>> -> memref<128xi32, #tpu.memory_space<hbm>>
      %dma_wait3A_105 = arith.constant 0 : i32
      %dma_wait3A_106 = tpu.memref_slice %arg5[%run_scoped3A, %dma_wait3A_105] : memref<4x128xi32, #tpu.memory_space<vmem>> -> memref<1x128xi32, #tpu.memory_space<vmem>>
      %dma_wait3A_107 = tpu.memref_squeeze %dma_wait3A_106 : memref<1x128xi32, #tpu.memory_space<vmem>> -> memref<128xi32, #tpu.memory_space<vmem>>
      %dma_wait3A_108 = tpu.memref_slice %arg3[%add3A_4] : memref<16384xi32, #tpu.memory_space<hbm>> -> memref<128xi32, #tpu.memory_space<hbm>>
      tpu.wait_dma2 semaphore(%run_scoped3A_92 : memref<!tpu.dma_semaphore, #tpu.memory_space<semaphore_mem>>) src(%dma_wait3A_108 : memref<128xi32, #tpu.memory_space<hbm>>) dst(%dma_wait3A_107 : memref<128xi32, #tpu.memory_space<vmem>>)
      tpu.yield
    }) : () -> ()
    %add3A_5 = arith.constant 128 : i32
    %add3A_6 = arith.addi %mul3A_2, %add3A_5 : i32
    %run_scoped3A_7 = arith.constant 1 : i32
    "tpu.region"() ({
      %run_scoped3A_92 = tpu.sem_alloc : memref<!tpu.dma_semaphore, #tpu.memory_space<semaphore_mem>>
      %dma_start3A_93 = arith.constant 0 : i32
      %dma_start3A_94 = tpu.memref_slice %arg5[%run_scoped3A_7, %dma_start3A_93] : memref<4x128xi32, #tpu.memory_space<vmem>> -> memref<1x128xi32, #tpu.memory_space<vmem>>
      %dma_start3A_95 = tpu.memref_squeeze %dma_start3A_94 : memref<1x128xi32, #tpu.memory_space<vmem>> -> memref<128xi32, #tpu.memory_space<vmem>>
      %dma_start3A_96 = tpu.memref_slice %arg3[%add3A_6] : memref<16384xi32, #tpu.memory_space<hbm>> -> memref<128xi32, #tpu.memory_space<hbm>>
      %dma_start3A_97 = arith.constant 0 : i32
      %dma_start3A_98 = tpu.memref_slice %arg5[%run_scoped3A_7, %dma_start3A_97] : memref<4x128xi32, #tpu.memory_space<vmem>> -> memref<1x128xi32, #tpu.memory_space<vmem>>
      %dma_start3A_99 = tpu.memref_squeeze %dma_start3A_98 : memref<1x128xi32, #tpu.memory_space<vmem>> -> memref<128xi32, #tpu.memory_space<vmem>>
      %dma_start3A_100 = tpu.memref_slice %arg3[%add3A_6] : memref<16384xi32, #tpu.memory_space<hbm>> -> memref<128xi32, #tpu.memory_space<hbm>>
      tpu.enqueue_dma source(%dma_start3A_100 : memref<128xi32, #tpu.memory_space<hbm>>) target(%dma_start3A_99 : memref<128xi32, #tpu.memory_space<vmem>>) target_semaphore(%run_scoped3A_92 : memref<!tpu.dma_semaphore, #tpu.memory_space<semaphore_mem>>)
      %dma_wait3A_101 = arith.constant 0 : i32
      %dma_wait3A_102 = tpu.memref_slice %arg5[%run_scoped3A_7, %dma_wait3A_101] : memref<4x128xi32, #tpu.memory_space<vmem>> -> memref<1x128xi32, #tpu.memory_space<vmem>>
      %dma_wait3A_103 = tpu.memref_squeeze %dma_wait3A_102 : memref<1x128xi32, #tpu.memory_space<vmem>> -> memref<128xi32, #tpu.memory_space<vmem>>
      %dma_wait3A_104 = tpu.memref_slice %arg3[%add3A_6] : memref<16384xi32, #tpu.memory_space<hbm>> -> memref<128xi32, #tpu.memory_space<hbm>>
      %dma_wait3A_105 = arith.constant 0 : i32
      %dma_wait3A_106 = tpu.memref_slice %arg5[%run_scoped3A_7, %dma_wait3A_105] : memref<4x128xi32, #tpu.memory_space<vmem>> -> memref<1x128xi32, #tpu.memory_space<vmem>>
      %dma_wait3A_107 = tpu.memref_squeeze %dma_wait3A_106 : memref<1x128xi32, #tpu.memory_space<vmem>> -> memref<128xi32, #tpu.memory_space<vmem>>
      %dma_wait3A_108 = tpu.memref_slice %arg3[%add3A_6] : memref<16384xi32, #tpu.memory_space<hbm>> -> memref<128xi32, #tpu.memory_space<hbm>>
      tpu.wait_dma2 semaphore(%run_scoped3A_92 : memref<!tpu.dma_semaphore, #tpu.memory_space<semaphore_mem>>) src(%dma_wait3A_108 : memref<128xi32, #tpu.memory_space<hbm>>) dst(%dma_wait3A_107 : memref<128xi32, #tpu.memory_space<vmem>>)
      tpu.yield
    }) : () -> ()
    %add3A_8 = arith.constant 256 : i32
    %add3A_9 = arith.addi %mul3A_2, %add3A_8 : i32
    %run_scoped3A_10 = arith.constant 2 : i32
    "tpu.region"() ({
      %run_scoped3A_92 = tpu.sem_alloc : memref<!tpu.dma_semaphore, #tpu.memory_space<semaphore_mem>>
      %dma_start3A_93 = arith.constant 0 : i32
      %dma_start3A_94 = tpu.memref_slice %arg5[%run_scoped3A_10, %dma_start3A_93] : memref<4x128xi32, #tpu.memory_space<vmem>> -> memref<1x128xi32, #tpu.memory_space<vmem>>
      %dma_start3A_95 = tpu.memref_squeeze %dma_start3A_94 : memref<1x128xi32, #tpu.memory_space<vmem>> -> memref<128xi32, #tpu.memory_space<vmem>>
      %dma_start3A_96 = tpu.memref_slice %arg3[%add3A_9] : memref<16384xi32, #tpu.memory_space<hbm>> -> memref<128xi32, #tpu.memory_space<hbm>>
      %dma_start3A_97 = arith.constant 0 : i32
      %dma_start3A_98 = tpu.memref_slice %arg5[%run_scoped3A_10, %dma_start3A_97] : memref<4x128xi32, #tpu.memory_space<vmem>> -> memref<1x128xi32, #tpu.memory_space<vmem>>
      %dma_start3A_99 = tpu.memref_squeeze %dma_start3A_98 : memref<1x128xi32, #tpu.memory_space<vmem>> -> memref<128xi32, #tpu.memory_space<vmem>>
      %dma_start3A_100 = tpu.memref_slice %arg3[%add3A_9] : memref<16384xi32, #tpu.memory_space<hbm>> -> memref<128xi32, #tpu.memory_space<hbm>>
      tpu.enqueue_dma source(%dma_start3A_100 : memref<128xi32, #tpu.memory_space<hbm>>) target(%dma_start3A_99 : memref<128xi32, #tpu.memory_space<vmem>>) target_semaphore(%run_scoped3A_92 : memref<!tpu.dma_semaphore, #tpu.memory_space<semaphore_mem>>)
      %dma_wait3A_101 = arith.constant 0 : i32
      %dma_wait3A_102 = tpu.memref_slice %arg5[%run_scoped3A_10, %dma_wait3A_101] : memref<4x128xi32, #tpu.memory_space<vmem>> -> memref<1x128xi32, #tpu.memory_space<vmem>>
      %dma_wait3A_103 = tpu.memref_squeeze %dma_wait3A_102 : memref<1x128xi32, #tpu.memory_space<vmem>> -> memref<128xi32, #tpu.memory_space<vmem>>
      %dma_wait3A_104 = tpu.memref_slice %arg3[%add3A_9] : memref<16384xi32, #tpu.memory_space<hbm>> -> memref<128xi32, #tpu.memory_space<hbm>>
      %dma_wait3A_105 = arith.constant 0 : i32
      %dma_wait3A_106 = tpu.memref_slice %arg5[%run_scoped3A_10, %dma_wait3A_105] : memref<4x128xi32, #tpu.memory_space<vmem>> -> memref<1x128xi32, #tpu.memory_space<vmem>>
      %dma_wait3A_107 = tpu.memref_squeeze %dma_wait3A_106 : memref<1x128xi32, #tpu.memory_space<vmem>> -> memref<128xi32, #tpu.memory_space<vmem>>
      %dma_wait3A_108 = tpu.memref_slice %arg3[%add3A_9] : memref<16384xi32, #tpu.memory_space<hbm>> -> memref<128xi32, #tpu.memory_space<hbm>>
      tpu.wait_dma2 semaphore(%run_scoped3A_92 : memref<!tpu.dma_semaphore, #tpu.memory_space<semaphore_mem>>) src(%dma_wait3A_108 : memref<128xi32, #tpu.memory_space<hbm>>) dst(%dma_wait3A_107 : memref<128xi32, #tpu.memory_space<vmem>>)
      tpu.yield
    }) : () -> ()
    %add3A_11 = arith.constant 384 : i32
    %add3A_12 = arith.addi %mul3A_2, %add3A_11 : i32
    %run_scoped3A_13 = arith.constant 3 : i32
    "tpu.region"() ({
      %run_scoped3A_92 = tpu.sem_alloc : memref<!tpu.dma_semaphore, #tpu.memory_space<semaphore_mem>>
      %dma_start3A_93 = arith.constant 0 : i32
      %dma_start3A_94 = tpu.memref_slice %arg5[%run_scoped3A_13, %dma_start3A_93] : memref<4x128xi32, #tpu.memory_space<vmem>> -> memref<1x128xi32, #tpu.memory_space<vmem>>
      %dma_start3A_95 = tpu.memref_squeeze %dma_start3A_94 : memref<1x128xi32, #tpu.memory_space<vmem>> -> memref<128xi32, #tpu.memory_space<vmem>>
      %dma_start3A_96 = tpu.memref_slice %arg3[%add3A_12] : memref<16384xi32, #tpu.memory_space<hbm>> -> memref<128xi32, #tpu.memory_space<hbm>>
      %dma_start3A_97 = arith.constant 0 : i32
      %dma_start3A_98 = tpu.memref_slice %arg5[%run_scoped3A_13, %dma_start3A_97] : memref<4x128xi32, #tpu.memory_space<vmem>> -> memref<1x128xi32, #tpu.memory_space<vmem>>
      %dma_start3A_99 = tpu.memref_squeeze %dma_start3A_98 : memref<1x128xi32, #tpu.memory_space<vmem>> -> memref<128xi32, #tpu.memory_space<vmem>>
      %dma_start3A_100 = tpu.memref_slice %arg3[%add3A_12] : memref<16384xi32, #tpu.memory_space<hbm>> -> memref<128xi32, #tpu.memory_space<hbm>>
      tpu.enqueue_dma source(%dma_start3A_100 : memref<128xi32, #tpu.memory_space<hbm>>) target(%dma_start3A_99 : memref<128xi32, #tpu.memory_space<vmem>>) target_semaphore(%run_scoped3A_92 : memref<!tpu.dma_semaphore, #tpu.memory_space<semaphore_mem>>)
      %dma_wait3A_101 = arith.constant 0 : i32
      %dma_wait3A_102 = tpu.memref_slice %arg5[%run_scoped3A_13, %dma_wait3A_101] : memref<4x128xi32, #tpu.memory_space<vmem>> -> memref<1x128xi32, #tpu.memory_space<vmem>>
      %dma_wait3A_103 = tpu.memref_squeeze %dma_wait3A_102 : memref<1x128xi32, #tpu.memory_space<vmem>> -> memref<128xi32, #tpu.memory_space<vmem>>
      %dma_wait3A_104 = tpu.memref_slice %arg3[%add3A_12] : memref<16384xi32, #tpu.memory_space<hbm>> -> memref<128xi32, #tpu.memory_space<hbm>>
      %dma_wait3A_105 = arith.constant 0 : i32
      %dma_wait3A_106 = tpu.memref_slice %arg5[%run_scoped3A_13, %dma_wait3A_105] : memref<4x128xi32, #tpu.memory_space<vmem>> -> memref<1x128xi32, #tpu.memory_space<vmem>>
      %dma_wait3A_107 = tpu.memref_squeeze %dma_wait3A_106 : memref<1x128xi32, #tpu.memory_space<vmem>> -> memref<128xi32, #tpu.memory_space<vmem>>
      %dma_wait3A_108 = tpu.memref_slice %arg3[%add3A_12] : memref<16384xi32, #tpu.memory_space<hbm>> -> memref<128xi32, #tpu.memory_space<hbm>>
      tpu.wait_dma2 semaphore(%run_scoped3A_92 : memref<!tpu.dma_semaphore, #tpu.memory_space<semaphore_mem>>) src(%dma_wait3A_108 : memref<128xi32, #tpu.memory_space<hbm>>) dst(%dma_wait3A_107 : memref<128xi32, #tpu.memory_space<vmem>>)
      tpu.yield
    }) : () -> ()
    %dma_start3A = arith.constant 0 : i32
    %dma_start3A_14 = arith.constant 0 : i32
    %dma_start3A_15 = arith.constant 0 : i32
    %dma_start3A_16 = tpu.memref_slice %arg6[%dma_start3A_14, %dma_start3A_15] : memref<512x32xf32, #tpu.memory_space<vmem>> -> memref<128x32xf32, #tpu.memory_space<vmem>>
    %dma_start3A_17 = arith.constant 0 : i32
    %dma_start3A_18 = tpu.memref_slice %arg5[%dma_start3A, %dma_start3A_17] : memref<4x128xi32, #tpu.memory_space<vmem>> -> memref<1x128xi32, #tpu.memory_space<vmem>>
    %dma_start3A_19 = tpu.memref_squeeze %dma_start3A_18 : memref<1x128xi32, #tpu.memory_space<vmem>> -> memref<128xi32, #tpu.memory_space<vmem>>
    %dma_start3A_20 = arith.constant 0 : i32
    %dma_start3A_21 = arith.constant 0 : i32
    %dma_start3A_22 = tpu.memref_slice %arg2[%dma_start3A_20, %dma_start3A_21] : memref<8192x32xf32, #tpu.memory_space<hbm>> -> memref<8192x32xf32, #tpu.memory_space<hbm>>
    tpu.enqueue_indirect_dma source(%dma_start3A_22 : memref<8192x32xf32, #tpu.memory_space<hbm>>) target(%dma_start3A_16 : memref<128x32xf32, #tpu.memory_space<vmem>>) offsets(%dma_start3A_19 : memref<128xi32, #tpu.memory_space<vmem>>) semaphore(%arg7 : memref<!tpu.dma_semaphore, #tpu.memory_space<semaphore_mem>>)
    %dma_start3A_23 = arith.constant 1 : i32
    %dma_start3A_24 = arith.constant 128 : i32
    %dma_start3A_25 = arith.constant 0 : i32
    %dma_start3A_26 = tpu.memref_slice %arg6[%dma_start3A_24, %dma_start3A_25] : memref<512x32xf32, #tpu.memory_space<vmem>> -> memref<128x32xf32, #tpu.memory_space<vmem>>
    %dma_start3A_27 = arith.constant 0 : i32
    %dma_start3A_28 = tpu.memref_slice %arg5[%dma_start3A_23, %dma_start3A_27] : memref<4x128xi32, #tpu.memory_space<vmem>> -> memref<1x128xi32, #tpu.memory_space<vmem>>
    %dma_start3A_29 = tpu.memref_squeeze %dma_start3A_28 : memref<1x128xi32, #tpu.memory_space<vmem>> -> memref<128xi32, #tpu.memory_space<vmem>>
    %dma_start3A_30 = arith.constant 0 : i32
    %dma_start3A_31 = arith.constant 0 : i32
    %dma_start3A_32 = tpu.memref_slice %arg2[%dma_start3A_30, %dma_start3A_31] : memref<8192x32xf32, #tpu.memory_space<hbm>> -> memref<8192x32xf32, #tpu.memory_space<hbm>>
    tpu.enqueue_indirect_dma source(%dma_start3A_32 : memref<8192x32xf32, #tpu.memory_space<hbm>>) target(%dma_start3A_26 : memref<128x32xf32, #tpu.memory_space<vmem>>) offsets(%dma_start3A_29 : memref<128xi32, #tpu.memory_space<vmem>>) semaphore(%arg7 : memref<!tpu.dma_semaphore, #tpu.memory_space<semaphore_mem>>)
    %dma_start3A_33 = arith.constant 2 : i32
    %dma_start3A_34 = arith.constant 256 : i32
    %dma_start3A_35 = arith.constant 0 : i32
    %dma_start3A_36 = tpu.memref_slice %arg6[%dma_start3A_34, %dma_start3A_35] : memref<512x32xf32, #tpu.memory_space<vmem>> -> memref<128x32xf32, #tpu.memory_space<vmem>>
    %dma_start3A_37 = arith.constant 0 : i32
    %dma_start3A_38 = tpu.memref_slice %arg5[%dma_start3A_33, %dma_start3A_37] : memref<4x128xi32, #tpu.memory_space<vmem>> -> memref<1x128xi32, #tpu.memory_space<vmem>>
    %dma_start3A_39 = tpu.memref_squeeze %dma_start3A_38 : memref<1x128xi32, #tpu.memory_space<vmem>> -> memref<128xi32, #tpu.memory_space<vmem>>
    %dma_start3A_40 = arith.constant 0 : i32
    %dma_start3A_41 = arith.constant 0 : i32
    %dma_start3A_42 = tpu.memref_slice %arg2[%dma_start3A_40, %dma_start3A_41] : memref<8192x32xf32, #tpu.memory_space<hbm>> -> memref<8192x32xf32, #tpu.memory_space<hbm>>
    tpu.enqueue_indirect_dma source(%dma_start3A_42 : memref<8192x32xf32, #tpu.memory_space<hbm>>) target(%dma_start3A_36 : memref<128x32xf32, #tpu.memory_space<vmem>>) offsets(%dma_start3A_39 : memref<128xi32, #tpu.memory_space<vmem>>) semaphore(%arg7 : memref<!tpu.dma_semaphore, #tpu.memory_space<semaphore_mem>>)
    %dma_start3A_43 = arith.constant 3 : i32
    %dma_start3A_44 = arith.constant 384 : i32
    %dma_start3A_45 = arith.constant 0 : i32
    %dma_start3A_46 = tpu.memref_slice %arg6[%dma_start3A_44, %dma_start3A_45] : memref<512x32xf32, #tpu.memory_space<vmem>> -> memref<128x32xf32, #tpu.memory_space<vmem>>
    %dma_start3A_47 = arith.constant 0 : i32
    %dma_start3A_48 = tpu.memref_slice %arg5[%dma_start3A_43, %dma_start3A_47] : memref<4x128xi32, #tpu.memory_space<vmem>> -> memref<1x128xi32, #tpu.memory_space<vmem>>
    %dma_start3A_49 = tpu.memref_squeeze %dma_start3A_48 : memref<1x128xi32, #tpu.memory_space<vmem>> -> memref<128xi32, #tpu.memory_space<vmem>>
    %dma_start3A_50 = arith.constant 0 : i32
    %dma_start3A_51 = arith.constant 0 : i32
    %dma_start3A_52 = tpu.memref_slice %arg2[%dma_start3A_50, %dma_start3A_51] : memref<8192x32xf32, #tpu.memory_space<hbm>> -> memref<8192x32xf32, #tpu.memory_space<hbm>>
    tpu.enqueue_indirect_dma source(%dma_start3A_52 : memref<8192x32xf32, #tpu.memory_space<hbm>>) target(%dma_start3A_46 : memref<128x32xf32, #tpu.memory_space<vmem>>) offsets(%dma_start3A_49 : memref<128xi32, #tpu.memory_space<vmem>>) semaphore(%arg7 : memref<!tpu.dma_semaphore, #tpu.memory_space<semaphore_mem>>)
    %dma_wait3A = arith.constant 0 : i32
    %dma_wait3A_53 = arith.constant 0 : i32
    %dma_wait3A_54 = arith.constant 0 : i32
    %dma_wait3A_55 = tpu.memref_slice %arg6[%dma_wait3A_53, %dma_wait3A_54] : memref<512x32xf32, #tpu.memory_space<vmem>> -> memref<128x32xf32, #tpu.memory_space<vmem>>
    %dma_wait3A_56 = arith.constant 0 : i32
    %dma_wait3A_57 = tpu.memref_slice %arg5[%dma_wait3A, %dma_wait3A_56] : memref<4x128xi32, #tpu.memory_space<vmem>> -> memref<1x128xi32, #tpu.memory_space<vmem>>
    %dma_wait3A_58 = tpu.memref_squeeze %dma_wait3A_57 : memref<1x128xi32, #tpu.memory_space<vmem>> -> memref<128xi32, #tpu.memory_space<vmem>>
    %dma_wait3A_59 = arith.constant 0 : i32
    %dma_wait3A_60 = arith.constant 0 : i32
    %dma_wait3A_61 = tpu.memref_slice %arg2[%dma_wait3A_59, %dma_wait3A_60] : memref<8192x32xf32, #tpu.memory_space<hbm>> -> memref<8192x32xf32, #tpu.memory_space<hbm>>
    tpu.wait_indirect_dma semaphore(%arg7 : memref<!tpu.dma_semaphore, #tpu.memory_space<semaphore_mem>>) src(%dma_wait3A_61 : memref<8192x32xf32, #tpu.memory_space<hbm>>) dst(%dma_wait3A_55 : memref<128x32xf32, #tpu.memory_space<vmem>>)
    %dma_wait3A_62 = arith.constant 1 : i32
    %dma_wait3A_63 = arith.constant 128 : i32
    %dma_wait3A_64 = arith.constant 0 : i32
    %dma_wait3A_65 = tpu.memref_slice %arg6[%dma_wait3A_63, %dma_wait3A_64] : memref<512x32xf32, #tpu.memory_space<vmem>> -> memref<128x32xf32, #tpu.memory_space<vmem>>
    %dma_wait3A_66 = arith.constant 0 : i32
    %dma_wait3A_67 = tpu.memref_slice %arg5[%dma_wait3A_62, %dma_wait3A_66] : memref<4x128xi32, #tpu.memory_space<vmem>> -> memref<1x128xi32, #tpu.memory_space<vmem>>
    %dma_wait3A_68 = tpu.memref_squeeze %dma_wait3A_67 : memref<1x128xi32, #tpu.memory_space<vmem>> -> memref<128xi32, #tpu.memory_space<vmem>>
    %dma_wait3A_69 = arith.constant 0 : i32
    %dma_wait3A_70 = arith.constant 0 : i32
    %dma_wait3A_71 = tpu.memref_slice %arg2[%dma_wait3A_69, %dma_wait3A_70] : memref<8192x32xf32, #tpu.memory_space<hbm>> -> memref<8192x32xf32, #tpu.memory_space<hbm>>
    tpu.wait_indirect_dma semaphore(%arg7 : memref<!tpu.dma_semaphore, #tpu.memory_space<semaphore_mem>>) src(%dma_wait3A_71 : memref<8192x32xf32, #tpu.memory_space<hbm>>) dst(%dma_wait3A_65 : memref<128x32xf32, #tpu.memory_space<vmem>>)
    %dma_wait3A_72 = arith.constant 2 : i32
    %dma_wait3A_73 = arith.constant 256 : i32
    %dma_wait3A_74 = arith.constant 0 : i32
    %dma_wait3A_75 = tpu.memref_slice %arg6[%dma_wait3A_73, %dma_wait3A_74] : memref<512x32xf32, #tpu.memory_space<vmem>> -> memref<128x32xf32, #tpu.memory_space<vmem>>
    %dma_wait3A_76 = arith.constant 0 : i32
    %dma_wait3A_77 = tpu.memref_slice %arg5[%dma_wait3A_72, %dma_wait3A_76] : memref<4x128xi32, #tpu.memory_space<vmem>> -> memref<1x128xi32, #tpu.memory_space<vmem>>
    %dma_wait3A_78 = tpu.memref_squeeze %dma_wait3A_77 : memref<1x128xi32, #tpu.memory_space<vmem>> -> memref<128xi32, #tpu.memory_space<vmem>>
    %dma_wait3A_79 = arith.constant 0 : i32
    %dma_wait3A_80 = arith.constant 0 : i32
    %dma_wait3A_81 = tpu.memref_slice %arg2[%dma_wait3A_79, %dma_wait3A_80] : memref<8192x32xf32, #tpu.memory_space<hbm>> -> memref<8192x32xf32, #tpu.memory_space<hbm>>
    tpu.wait_indirect_dma semaphore(%arg7 : memref<!tpu.dma_semaphore, #tpu.memory_space<semaphore_mem>>) src(%dma_wait3A_81 : memref<8192x32xf32, #tpu.memory_space<hbm>>) dst(%dma_wait3A_75 : memref<128x32xf32, #tpu.memory_space<vmem>>)
    %dma_wait3A_82 = arith.constant 3 : i32
    %dma_wait3A_83 = arith.constant 384 : i32
    %dma_wait3A_84 = arith.constant 0 : i32
    %dma_wait3A_85 = tpu.memref_slice %arg6[%dma_wait3A_83, %dma_wait3A_84] : memref<512x32xf32, #tpu.memory_space<vmem>> -> memref<128x32xf32, #tpu.memory_space<vmem>>
    %dma_wait3A_86 = arith.constant 0 : i32
    %dma_wait3A_87 = tpu.memref_slice %arg5[%dma_wait3A_82, %dma_wait3A_86] : memref<4x128xi32, #tpu.memory_space<vmem>> -> memref<1x128xi32, #tpu.memory_space<vmem>>
    %dma_wait3A_88 = tpu.memref_squeeze %dma_wait3A_87 : memref<1x128xi32, #tpu.memory_space<vmem>> -> memref<128xi32, #tpu.memory_space<vmem>>
    %dma_wait3A_89 = arith.constant 0 : i32
    %dma_wait3A_90 = arith.constant 0 : i32
    %dma_wait3A_91 = tpu.memref_slice %arg2[%dma_wait3A_89, %dma_wait3A_90] : memref<8192x32xf32, #tpu.memory_space<hbm>> -> memref<8192x32xf32, #tpu.memory_space<hbm>>
    tpu.wait_indirect_dma semaphore(%arg7 : memref<!tpu.dma_semaphore, #tpu.memory_space<semaphore_mem>>) src(%dma_wait3A_91 : memref<8192x32xf32, #tpu.memory_space<hbm>>) dst(%dma_wait3A_85 : memref<128x32xf32, #tpu.memory_space<vmem>>)
    "tpu.region"() ({
      %run_scoped3A_92 = tpu.sem_alloc : memref<!tpu.dma_semaphore, #tpu.memory_space<semaphore_mem>>
      %dma_start3A_93 = arith.constant 0 : i32
      %dma_start3A_94 = tpu.memref_slice %arg4[%mul3A_2, %dma_start3A_93] : memref<16384x32xf32, #tpu.memory_space<hbm>> -> memref<512x32xf32, #tpu.memory_space<hbm>>
      %dma_start3A_95 = arith.constant 0 : i32
      %dma_start3A_96 = tpu.memref_slice %arg4[%mul3A_2, %dma_start3A_95] : memref<16384x32xf32, #tpu.memory_space<hbm>> -> memref<512x32xf32, #tpu.memory_space<hbm>>
      tpu.enqueue_dma source(%arg6 : memref<512x32xf32, #tpu.memory_space<vmem>>) target(%dma_start3A_96 : memref<512x32xf32, #tpu.memory_space<hbm>>) target_semaphore(%run_scoped3A_92 : memref<!tpu.dma_semaphore, #tpu.memory_space<semaphore_mem>>)
      %dma_wait3A_97 = arith.constant 0 : i32
      %dma_wait3A_98 = tpu.memref_slice %arg4[%mul3A_2, %dma_wait3A_97] : memref<16384x32xf32, #tpu.memory_space<hbm>> -> memref<512x32xf32, #tpu.memory_space<hbm>>
      %dma_wait3A_99 = arith.constant 0 : i32
      %dma_wait3A_100 = tpu.memref_slice %arg4[%mul3A_2, %dma_wait3A_99] : memref<16384x32xf32, #tpu.memory_space<hbm>> -> memref<512x32xf32, #tpu.memory_space<hbm>>
      tpu.wait_dma2 semaphore(%run_scoped3A_92 : memref<!tpu.dma_semaphore, #tpu.memory_space<semaphore_mem>>) src(%arg6 : memref<512x32xf32, #tpu.memory_space<vmem>>) dst(%dma_wait3A_100 : memref<512x32xf32, #tpu.memory_space<hbm>>)
      tpu.yield
    }) : () -> ()
    return
  }
}

module attributes {stable_mosaic.version = 14 : i64} {
  func.func @_argmin_body(%arg0: i32, %arg1: memref<256x32xf32, #tpu.memory_space<vmem>>, %arg2: memref<32x8192xf32, #tpu.memory_space<vmem>>, %arg3: memref<256xi32, #tpu.memory_space<vmem>>) attributes {dimension_semantics = [#tpu.dimension_semantics<arbitrary>], iteration_bounds = array<i64: 64>, scalar_prefetch = 0 : i64, scratch_operands = 0 : i64, tpu.core_type = #tpu.core_type<tc>, window_params = [{transform_indices = @transform_0, window_bounds = array<i64: 256, 32>}, {pipeline_mode = #tpu.pipeline_mode<synchronous>, transform_indices = @transform_1, window_bounds = array<i64: 32, 8192>}, {transform_indices = @transform_2, window_bounds = array<i64: 256>}]} {
    %get3A = arith.constant 0 : index
    %get3A_0 = arith.constant 0 : index
    %get3A_1 = vector.load %arg1[%get3A, %get3A_0] : memref<256x32xf32, #tpu.memory_space<vmem>>, vector<256x32xf32>
    %get3A_2 = arith.constant 0 : index
    %get3A_3 = arith.constant 0 : index
    %get3A_4 = vector.load %arg2[%get3A_2, %get3A_3] : memref<32x8192xf32, #tpu.memory_space<vmem>>, vector<32x8192xf32>
    %dot_general3A = arith.constant dense<0.000000e+00> : vector<256x8192xf32>
    %dot_general3A_5 = tpu.matmul %get3A_1, %get3A_4, %dot_general3A {dimension_numbers = #tpu.dot_dimension_numbers<[1], [0], [0], [1], [0, 0, 1, 1], [], []>, transpose_lhs_hint = false} : vector<256x32xf32>, vector<32x8192xf32>, vector<256x8192xf32> -> vector<256x8192xf32>
    %mul3A = arith.mulf %get3A_1, %get3A_1 : vector<256x32xf32>
    %reduce_sum3A = arith.constant dense<0.000000e+00> : vector<256xf32>
    %reduce_sum3A_6 = vector.multi_reduction <add>, %mul3A, %reduce_sum3A [1] : vector<256x32xf32> to vector<256xf32>
    %broadcast_in_dim3A = vector.shape_cast %reduce_sum3A_6 : vector<256xf32> to vector<256x1xf32>
    %mul3A_7 = arith.mulf %get3A_4, %get3A_4 : vector<32x8192xf32>
    %reduce_sum3A_8 = arith.constant dense<0.000000e+00> : vector<8192xf32>
    %reduce_sum3A_9 = vector.multi_reduction <add>, %mul3A_7, %reduce_sum3A_8 [0] : vector<32x8192xf32> to vector<8192xf32>
    %broadcast_in_dim3A_10 = vector.shape_cast %reduce_sum3A_9 : vector<8192xf32> to vector<1x8192xf32>
    %mul3A_11 = arith.constant 2.000000e+00 : f32
    %mul3A_12 = vector.broadcast %mul3A_11 : f32 to vector<256x8192xf32>
    %mul3A_13 = arith.mulf %mul3A_12, %dot_general3A_5 : vector<256x8192xf32>
    %sub3A = vector.broadcast %broadcast_in_dim3A : vector<256x1xf32> to vector<256x8192xf32>
    %sub3A_14 = arith.subf %sub3A, %mul3A_13 : vector<256x8192xf32>
    %add3A = vector.broadcast %broadcast_in_dim3A_10 : vector<1x8192xf32> to vector<256x8192xf32>
    %add3A_15 = arith.addf %sub3A_14, %add3A : vector<256x8192xf32>
    %slice3A = vector.extract_strided_slice %add3A_15 {offsets = [0, 0], sizes = [256, 4096], strides = [1, 1]} : vector<256x8192xf32> to vector<256x4096xf32>
    %slice3A_16 = vector.extract_strided_slice %slice3A {offsets = [0, 0], sizes = [256, 128], strides = [1, 1]} : vector<256x4096xf32> to vector<256x128xf32>
    %broadcast_in_dim3A_17 = arith.constant 0 : i32
    %broadcast_in_dim3A_18 = vector.broadcast %broadcast_in_dim3A_17 : i32 to vector<256x128xi32>
    %slice3A_19 = vector.extract_strided_slice %slice3A {offsets = [0, 128], sizes = [256, 128], strides = [1, 1]} : vector<256x4096xf32> to vector<256x128xf32>
    %lt3A = arith.cmpf olt, %slice3A_19, %slice3A_16 : vector<256x128xf32>
    %select_n3A = arith.select %lt3A, %slice3A_19, %slice3A_16 : vector<256x128xi1>, vector<256x128xf32>
    %jit3A = arith.constant 1 : i32
    %broadcast_in_dim3A_20 = vector.broadcast %jit3A : i32 to vector<256x128xi32>
    %select_n3A_21 = arith.select %lt3A, %broadcast_in_dim3A_20, %broadcast_in_dim3A_18 : vector<256x128xi1>, vector<256x128xi32>
    %slice3A_22 = vector.extract_strided_slice %slice3A {offsets = [0, 256], sizes = [256, 128], strides = [1, 1]} : vector<256x4096xf32> to vector<256x128xf32>
    %lt3A_23 = arith.cmpf olt, %slice3A_22, %select_n3A : vector<256x128xf32>
    %select_n3A_24 = arith.select %lt3A_23, %slice3A_22, %select_n3A : vector<256x128xi1>, vector<256x128xf32>
    %jit3A_25 = arith.constant 2 : i32
    %broadcast_in_dim3A_26 = vector.broadcast %jit3A_25 : i32 to vector<256x128xi32>
    %select_n3A_27 = arith.select %lt3A_23, %broadcast_in_dim3A_26, %select_n3A_21 : vector<256x128xi1>, vector<256x128xi32>
    %slice3A_28 = vector.extract_strided_slice %slice3A {offsets = [0, 384], sizes = [256, 128], strides = [1, 1]} : vector<256x4096xf32> to vector<256x128xf32>
    %lt3A_29 = arith.cmpf olt, %slice3A_28, %select_n3A_24 : vector<256x128xf32>
    %select_n3A_30 = arith.select %lt3A_29, %slice3A_28, %select_n3A_24 : vector<256x128xi1>, vector<256x128xf32>
    %jit3A_31 = arith.constant 3 : i32
    %broadcast_in_dim3A_32 = vector.broadcast %jit3A_31 : i32 to vector<256x128xi32>
    %select_n3A_33 = arith.select %lt3A_29, %broadcast_in_dim3A_32, %select_n3A_27 : vector<256x128xi1>, vector<256x128xi32>
    %slice3A_34 = vector.extract_strided_slice %slice3A {offsets = [0, 512], sizes = [256, 128], strides = [1, 1]} : vector<256x4096xf32> to vector<256x128xf32>
    %lt3A_35 = arith.cmpf olt, %slice3A_34, %select_n3A_30 : vector<256x128xf32>
    %select_n3A_36 = arith.select %lt3A_35, %slice3A_34, %select_n3A_30 : vector<256x128xi1>, vector<256x128xf32>
    %jit3A_37 = arith.constant 4 : i32
    %broadcast_in_dim3A_38 = vector.broadcast %jit3A_37 : i32 to vector<256x128xi32>
    %select_n3A_39 = arith.select %lt3A_35, %broadcast_in_dim3A_38, %select_n3A_33 : vector<256x128xi1>, vector<256x128xi32>
    %slice3A_40 = vector.extract_strided_slice %slice3A {offsets = [0, 640], sizes = [256, 128], strides = [1, 1]} : vector<256x4096xf32> to vector<256x128xf32>
    %lt3A_41 = arith.cmpf olt, %slice3A_40, %select_n3A_36 : vector<256x128xf32>
    %select_n3A_42 = arith.select %lt3A_41, %slice3A_40, %select_n3A_36 : vector<256x128xi1>, vector<256x128xf32>
    %jit3A_43 = arith.constant 5 : i32
    %broadcast_in_dim3A_44 = vector.broadcast %jit3A_43 : i32 to vector<256x128xi32>
    %select_n3A_45 = arith.select %lt3A_41, %broadcast_in_dim3A_44, %select_n3A_39 : vector<256x128xi1>, vector<256x128xi32>
    %slice3A_46 = vector.extract_strided_slice %slice3A {offsets = [0, 768], sizes = [256, 128], strides = [1, 1]} : vector<256x4096xf32> to vector<256x128xf32>
    %lt3A_47 = arith.cmpf olt, %slice3A_46, %select_n3A_42 : vector<256x128xf32>
    %select_n3A_48 = arith.select %lt3A_47, %slice3A_46, %select_n3A_42 : vector<256x128xi1>, vector<256x128xf32>
    %jit3A_49 = arith.constant 6 : i32
    %broadcast_in_dim3A_50 = vector.broadcast %jit3A_49 : i32 to vector<256x128xi32>
    %select_n3A_51 = arith.select %lt3A_47, %broadcast_in_dim3A_50, %select_n3A_45 : vector<256x128xi1>, vector<256x128xi32>
    %slice3A_52 = vector.extract_strided_slice %slice3A {offsets = [0, 896], sizes = [256, 128], strides = [1, 1]} : vector<256x4096xf32> to vector<256x128xf32>
    %lt3A_53 = arith.cmpf olt, %slice3A_52, %select_n3A_48 : vector<256x128xf32>
    %select_n3A_54 = arith.select %lt3A_53, %slice3A_52, %select_n3A_48 : vector<256x128xi1>, vector<256x128xf32>
    %jit3A_55 = arith.constant 7 : i32
    %broadcast_in_dim3A_56 = vector.broadcast %jit3A_55 : i32 to vector<256x128xi32>
    %select_n3A_57 = arith.select %lt3A_53, %broadcast_in_dim3A_56, %select_n3A_51 : vector<256x128xi1>, vector<256x128xi32>
    %slice3A_58 = vector.extract_strided_slice %slice3A {offsets = [0, 1024], sizes = [256, 128], strides = [1, 1]} : vector<256x4096xf32> to vector<256x128xf32>
    %lt3A_59 = arith.cmpf olt, %slice3A_58, %select_n3A_54 : vector<256x128xf32>
    %select_n3A_60 = arith.select %lt3A_59, %slice3A_58, %select_n3A_54 : vector<256x128xi1>, vector<256x128xf32>
    %jit3A_61 = arith.constant 8 : i32
    %broadcast_in_dim3A_62 = vector.broadcast %jit3A_61 : i32 to vector<256x128xi32>
    %select_n3A_63 = arith.select %lt3A_59, %broadcast_in_dim3A_62, %select_n3A_57 : vector<256x128xi1>, vector<256x128xi32>
    %slice3A_64 = vector.extract_strided_slice %slice3A {offsets = [0, 1152], sizes = [256, 128], strides = [1, 1]} : vector<256x4096xf32> to vector<256x128xf32>
    %lt3A_65 = arith.cmpf olt, %slice3A_64, %select_n3A_60 : vector<256x128xf32>
    %select_n3A_66 = arith.select %lt3A_65, %slice3A_64, %select_n3A_60 : vector<256x128xi1>, vector<256x128xf32>
    %jit3A_67 = arith.constant 9 : i32
    %broadcast_in_dim3A_68 = vector.broadcast %jit3A_67 : i32 to vector<256x128xi32>
    %select_n3A_69 = arith.select %lt3A_65, %broadcast_in_dim3A_68, %select_n3A_63 : vector<256x128xi1>, vector<256x128xi32>
    %slice3A_70 = vector.extract_strided_slice %slice3A {offsets = [0, 1280], sizes = [256, 128], strides = [1, 1]} : vector<256x4096xf32> to vector<256x128xf32>
    %lt3A_71 = arith.cmpf olt, %slice3A_70, %select_n3A_66 : vector<256x128xf32>
    %select_n3A_72 = arith.select %lt3A_71, %slice3A_70, %select_n3A_66 : vector<256x128xi1>, vector<256x128xf32>
    %jit3A_73 = arith.constant 10 : i32
    %broadcast_in_dim3A_74 = vector.broadcast %jit3A_73 : i32 to vector<256x128xi32>
    %select_n3A_75 = arith.select %lt3A_71, %broadcast_in_dim3A_74, %select_n3A_69 : vector<256x128xi1>, vector<256x128xi32>
    %slice3A_76 = vector.extract_strided_slice %slice3A {offsets = [0, 1408], sizes = [256, 128], strides = [1, 1]} : vector<256x4096xf32> to vector<256x128xf32>
    %lt3A_77 = arith.cmpf olt, %slice3A_76, %select_n3A_72 : vector<256x128xf32>
    %select_n3A_78 = arith.select %lt3A_77, %slice3A_76, %select_n3A_72 : vector<256x128xi1>, vector<256x128xf32>
    %jit3A_79 = arith.constant 11 : i32
    %broadcast_in_dim3A_80 = vector.broadcast %jit3A_79 : i32 to vector<256x128xi32>
    %select_n3A_81 = arith.select %lt3A_77, %broadcast_in_dim3A_80, %select_n3A_75 : vector<256x128xi1>, vector<256x128xi32>
    %slice3A_82 = vector.extract_strided_slice %slice3A {offsets = [0, 1536], sizes = [256, 128], strides = [1, 1]} : vector<256x4096xf32> to vector<256x128xf32>
    %lt3A_83 = arith.cmpf olt, %slice3A_82, %select_n3A_78 : vector<256x128xf32>
    %select_n3A_84 = arith.select %lt3A_83, %slice3A_82, %select_n3A_78 : vector<256x128xi1>, vector<256x128xf32>
    %jit3A_85 = arith.constant 12 : i32
    %broadcast_in_dim3A_86 = vector.broadcast %jit3A_85 : i32 to vector<256x128xi32>
    %select_n3A_87 = arith.select %lt3A_83, %broadcast_in_dim3A_86, %select_n3A_81 : vector<256x128xi1>, vector<256x128xi32>
    %slice3A_88 = vector.extract_strided_slice %slice3A {offsets = [0, 1664], sizes = [256, 128], strides = [1, 1]} : vector<256x4096xf32> to vector<256x128xf32>
    %lt3A_89 = arith.cmpf olt, %slice3A_88, %select_n3A_84 : vector<256x128xf32>
    %select_n3A_90 = arith.select %lt3A_89, %slice3A_88, %select_n3A_84 : vector<256x128xi1>, vector<256x128xf32>
    %jit3A_91 = arith.constant 13 : i32
    %broadcast_in_dim3A_92 = vector.broadcast %jit3A_91 : i32 to vector<256x128xi32>
    %select_n3A_93 = arith.select %lt3A_89, %broadcast_in_dim3A_92, %select_n3A_87 : vector<256x128xi1>, vector<256x128xi32>
    %slice3A_94 = vector.extract_strided_slice %slice3A {offsets = [0, 1792], sizes = [256, 128], strides = [1, 1]} : vector<256x4096xf32> to vector<256x128xf32>
    %lt3A_95 = arith.cmpf olt, %slice3A_94, %select_n3A_90 : vector<256x128xf32>
    %select_n3A_96 = arith.select %lt3A_95, %slice3A_94, %select_n3A_90 : vector<256x128xi1>, vector<256x128xf32>
    %jit3A_97 = arith.constant 14 : i32
    %broadcast_in_dim3A_98 = vector.broadcast %jit3A_97 : i32 to vector<256x128xi32>
    %select_n3A_99 = arith.select %lt3A_95, %broadcast_in_dim3A_98, %select_n3A_93 : vector<256x128xi1>, vector<256x128xi32>
    %slice3A_100 = vector.extract_strided_slice %slice3A {offsets = [0, 1920], sizes = [256, 128], strides = [1, 1]} : vector<256x4096xf32> to vector<256x128xf32>
    %lt3A_101 = arith.cmpf olt, %slice3A_100, %select_n3A_96 : vector<256x128xf32>
    %select_n3A_102 = arith.select %lt3A_101, %slice3A_100, %select_n3A_96 : vector<256x128xi1>, vector<256x128xf32>
    %jit3A_103 = arith.constant 15 : i32
    %broadcast_in_dim3A_104 = vector.broadcast %jit3A_103 : i32 to vector<256x128xi32>
    %select_n3A_105 = arith.select %lt3A_101, %broadcast_in_dim3A_104, %select_n3A_99 : vector<256x128xi1>, vector<256x128xi32>
    %slice3A_106 = vector.extract_strided_slice %slice3A {offsets = [0, 2048], sizes = [256, 128], strides = [1, 1]} : vector<256x4096xf32> to vector<256x128xf32>
    %lt3A_107 = arith.cmpf olt, %slice3A_106, %select_n3A_102 : vector<256x128xf32>
    %select_n3A_108 = arith.select %lt3A_107, %slice3A_106, %select_n3A_102 : vector<256x128xi1>, vector<256x128xf32>
    %jit3A_109 = arith.constant 16 : i32
    %broadcast_in_dim3A_110 = vector.broadcast %jit3A_109 : i32 to vector<256x128xi32>
    %select_n3A_111 = arith.select %lt3A_107, %broadcast_in_dim3A_110, %select_n3A_105 : vector<256x128xi1>, vector<256x128xi32>
    %slice3A_112 = vector.extract_strided_slice %slice3A {offsets = [0, 2176], sizes = [256, 128], strides = [1, 1]} : vector<256x4096xf32> to vector<256x128xf32>
    %lt3A_113 = arith.cmpf olt, %slice3A_112, %select_n3A_108 : vector<256x128xf32>
    %select_n3A_114 = arith.select %lt3A_113, %slice3A_112, %select_n3A_108 : vector<256x128xi1>, vector<256x128xf32>
    %jit3A_115 = arith.constant 17 : i32
    %broadcast_in_dim3A_116 = vector.broadcast %jit3A_115 : i32 to vector<256x128xi32>
    %select_n3A_117 = arith.select %lt3A_113, %broadcast_in_dim3A_116, %select_n3A_111 : vector<256x128xi1>, vector<256x128xi32>
    %slice3A_118 = vector.extract_strided_slice %slice3A {offsets = [0, 2304], sizes = [256, 128], strides = [1, 1]} : vector<256x4096xf32> to vector<256x128xf32>
    %lt3A_119 = arith.cmpf olt, %slice3A_118, %select_n3A_114 : vector<256x128xf32>
    %select_n3A_120 = arith.select %lt3A_119, %slice3A_118, %select_n3A_114 : vector<256x128xi1>, vector<256x128xf32>
    %jit3A_121 = arith.constant 18 : i32
    %broadcast_in_dim3A_122 = vector.broadcast %jit3A_121 : i32 to vector<256x128xi32>
    %select_n3A_123 = arith.select %lt3A_119, %broadcast_in_dim3A_122, %select_n3A_117 : vector<256x128xi1>, vector<256x128xi32>
    %slice3A_124 = vector.extract_strided_slice %slice3A {offsets = [0, 2432], sizes = [256, 128], strides = [1, 1]} : vector<256x4096xf32> to vector<256x128xf32>
    %lt3A_125 = arith.cmpf olt, %slice3A_124, %select_n3A_120 : vector<256x128xf32>
    %select_n3A_126 = arith.select %lt3A_125, %slice3A_124, %select_n3A_120 : vector<256x128xi1>, vector<256x128xf32>
    %jit3A_127 = arith.constant 19 : i32
    %broadcast_in_dim3A_128 = vector.broadcast %jit3A_127 : i32 to vector<256x128xi32>
    %select_n3A_129 = arith.select %lt3A_125, %broadcast_in_dim3A_128, %select_n3A_123 : vector<256x128xi1>, vector<256x128xi32>
    %slice3A_130 = vector.extract_strided_slice %slice3A {offsets = [0, 2560], sizes = [256, 128], strides = [1, 1]} : vector<256x4096xf32> to vector<256x128xf32>
    %lt3A_131 = arith.cmpf olt, %slice3A_130, %select_n3A_126 : vector<256x128xf32>
    %select_n3A_132 = arith.select %lt3A_131, %slice3A_130, %select_n3A_126 : vector<256x128xi1>, vector<256x128xf32>
    %jit3A_133 = arith.constant 20 : i32
    %broadcast_in_dim3A_134 = vector.broadcast %jit3A_133 : i32 to vector<256x128xi32>
    %select_n3A_135 = arith.select %lt3A_131, %broadcast_in_dim3A_134, %select_n3A_129 : vector<256x128xi1>, vector<256x128xi32>
    %slice3A_136 = vector.extract_strided_slice %slice3A {offsets = [0, 2688], sizes = [256, 128], strides = [1, 1]} : vector<256x4096xf32> to vector<256x128xf32>
    %lt3A_137 = arith.cmpf olt, %slice3A_136, %select_n3A_132 : vector<256x128xf32>
    %select_n3A_138 = arith.select %lt3A_137, %slice3A_136, %select_n3A_132 : vector<256x128xi1>, vector<256x128xf32>
    %jit3A_139 = arith.constant 21 : i32
    %broadcast_in_dim3A_140 = vector.broadcast %jit3A_139 : i32 to vector<256x128xi32>
    %select_n3A_141 = arith.select %lt3A_137, %broadcast_in_dim3A_140, %select_n3A_135 : vector<256x128xi1>, vector<256x128xi32>
    %slice3A_142 = vector.extract_strided_slice %slice3A {offsets = [0, 2816], sizes = [256, 128], strides = [1, 1]} : vector<256x4096xf32> to vector<256x128xf32>
    %lt3A_143 = arith.cmpf olt, %slice3A_142, %select_n3A_138 : vector<256x128xf32>
    %select_n3A_144 = arith.select %lt3A_143, %slice3A_142, %select_n3A_138 : vector<256x128xi1>, vector<256x128xf32>
    %jit3A_145 = arith.constant 22 : i32
    %broadcast_in_dim3A_146 = vector.broadcast %jit3A_145 : i32 to vector<256x128xi32>
    %select_n3A_147 = arith.select %lt3A_143, %broadcast_in_dim3A_146, %select_n3A_141 : vector<256x128xi1>, vector<256x128xi32>
    %slice3A_148 = vector.extract_strided_slice %slice3A {offsets = [0, 2944], sizes = [256, 128], strides = [1, 1]} : vector<256x4096xf32> to vector<256x128xf32>
    %lt3A_149 = arith.cmpf olt, %slice3A_148, %select_n3A_144 : vector<256x128xf32>
    %select_n3A_150 = arith.select %lt3A_149, %slice3A_148, %select_n3A_144 : vector<256x128xi1>, vector<256x128xf32>
    %jit3A_151 = arith.constant 23 : i32
    %broadcast_in_dim3A_152 = vector.broadcast %jit3A_151 : i32 to vector<256x128xi32>
    %select_n3A_153 = arith.select %lt3A_149, %broadcast_in_dim3A_152, %select_n3A_147 : vector<256x128xi1>, vector<256x128xi32>
    %slice3A_154 = vector.extract_strided_slice %slice3A {offsets = [0, 3072], sizes = [256, 128], strides = [1, 1]} : vector<256x4096xf32> to vector<256x128xf32>
    %lt3A_155 = arith.cmpf olt, %slice3A_154, %select_n3A_150 : vector<256x128xf32>
    %select_n3A_156 = arith.select %lt3A_155, %slice3A_154, %select_n3A_150 : vector<256x128xi1>, vector<256x128xf32>
    %jit3A_157 = arith.constant 24 : i32
    %broadcast_in_dim3A_158 = vector.broadcast %jit3A_157 : i32 to vector<256x128xi32>
    %select_n3A_159 = arith.select %lt3A_155, %broadcast_in_dim3A_158, %select_n3A_153 : vector<256x128xi1>, vector<256x128xi32>
    %slice3A_160 = vector.extract_strided_slice %slice3A {offsets = [0, 3200], sizes = [256, 128], strides = [1, 1]} : vector<256x4096xf32> to vector<256x128xf32>
    %lt3A_161 = arith.cmpf olt, %slice3A_160, %select_n3A_156 : vector<256x128xf32>
    %select_n3A_162 = arith.select %lt3A_161, %slice3A_160, %select_n3A_156 : vector<256x128xi1>, vector<256x128xf32>
    %jit3A_163 = arith.constant 25 : i32
    %broadcast_in_dim3A_164 = vector.broadcast %jit3A_163 : i32 to vector<256x128xi32>
    %select_n3A_165 = arith.select %lt3A_161, %broadcast_in_dim3A_164, %select_n3A_159 : vector<256x128xi1>, vector<256x128xi32>
    %slice3A_166 = vector.extract_strided_slice %slice3A {offsets = [0, 3328], sizes = [256, 128], strides = [1, 1]} : vector<256x4096xf32> to vector<256x128xf32>
    %lt3A_167 = arith.cmpf olt, %slice3A_166, %select_n3A_162 : vector<256x128xf32>
    %select_n3A_168 = arith.select %lt3A_167, %slice3A_166, %select_n3A_162 : vector<256x128xi1>, vector<256x128xf32>
    %jit3A_169 = arith.constant 26 : i32
    %broadcast_in_dim3A_170 = vector.broadcast %jit3A_169 : i32 to vector<256x128xi32>
    %select_n3A_171 = arith.select %lt3A_167, %broadcast_in_dim3A_170, %select_n3A_165 : vector<256x128xi1>, vector<256x128xi32>
    %slice3A_172 = vector.extract_strided_slice %slice3A {offsets = [0, 3456], sizes = [256, 128], strides = [1, 1]} : vector<256x4096xf32> to vector<256x128xf32>
    %lt3A_173 = arith.cmpf olt, %slice3A_172, %select_n3A_168 : vector<256x128xf32>
    %select_n3A_174 = arith.select %lt3A_173, %slice3A_172, %select_n3A_168 : vector<256x128xi1>, vector<256x128xf32>
    %jit3A_175 = arith.constant 27 : i32
    %broadcast_in_dim3A_176 = vector.broadcast %jit3A_175 : i32 to vector<256x128xi32>
    %select_n3A_177 = arith.select %lt3A_173, %broadcast_in_dim3A_176, %select_n3A_171 : vector<256x128xi1>, vector<256x128xi32>
    %slice3A_178 = vector.extract_strided_slice %slice3A {offsets = [0, 3584], sizes = [256, 128], strides = [1, 1]} : vector<256x4096xf32> to vector<256x128xf32>
    %lt3A_179 = arith.cmpf olt, %slice3A_178, %select_n3A_174 : vector<256x128xf32>
    %select_n3A_180 = arith.select %lt3A_179, %slice3A_178, %select_n3A_174 : vector<256x128xi1>, vector<256x128xf32>
    %jit3A_181 = arith.constant 28 : i32
    %broadcast_in_dim3A_182 = vector.broadcast %jit3A_181 : i32 to vector<256x128xi32>
    %select_n3A_183 = arith.select %lt3A_179, %broadcast_in_dim3A_182, %select_n3A_177 : vector<256x128xi1>, vector<256x128xi32>
    %slice3A_184 = vector.extract_strided_slice %slice3A {offsets = [0, 3712], sizes = [256, 128], strides = [1, 1]} : vector<256x4096xf32> to vector<256x128xf32>
    %lt3A_185 = arith.cmpf olt, %slice3A_184, %select_n3A_180 : vector<256x128xf32>
    %select_n3A_186 = arith.select %lt3A_185, %slice3A_184, %select_n3A_180 : vector<256x128xi1>, vector<256x128xf32>
    %jit3A_187 = arith.constant 29 : i32
    %broadcast_in_dim3A_188 = vector.broadcast %jit3A_187 : i32 to vector<256x128xi32>
    %select_n3A_189 = arith.select %lt3A_185, %broadcast_in_dim3A_188, %select_n3A_183 : vector<256x128xi1>, vector<256x128xi32>
    %slice3A_190 = vector.extract_strided_slice %slice3A {offsets = [0, 3840], sizes = [256, 128], strides = [1, 1]} : vector<256x4096xf32> to vector<256x128xf32>
    %lt3A_191 = arith.cmpf olt, %slice3A_190, %select_n3A_186 : vector<256x128xf32>
    %select_n3A_192 = arith.select %lt3A_191, %slice3A_190, %select_n3A_186 : vector<256x128xi1>, vector<256x128xf32>
    %jit3A_193 = arith.constant 30 : i32
    %broadcast_in_dim3A_194 = vector.broadcast %jit3A_193 : i32 to vector<256x128xi32>
    %select_n3A_195 = arith.select %lt3A_191, %broadcast_in_dim3A_194, %select_n3A_189 : vector<256x128xi1>, vector<256x128xi32>
    %slice3A_196 = vector.extract_strided_slice %slice3A {offsets = [0, 3968], sizes = [256, 128], strides = [1, 1]} : vector<256x4096xf32> to vector<256x128xf32>
    %lt3A_197 = arith.cmpf olt, %slice3A_196, %select_n3A_192 : vector<256x128xf32>
    %select_n3A_198 = arith.select %lt3A_197, %slice3A_196, %select_n3A_192 : vector<256x128xi1>, vector<256x128xf32>
    %jit3A_199 = arith.constant 31 : i32
    %broadcast_in_dim3A_200 = vector.broadcast %jit3A_199 : i32 to vector<256x128xi32>
    %select_n3A_201 = arith.select %lt3A_197, %broadcast_in_dim3A_200, %select_n3A_195 : vector<256x128xi1>, vector<256x128xi32>
    %reduce_min3A = arith.constant dense<0x7F800000> : vector<256xf32>
    %reduce_min3A_202 = vector.multi_reduction <minimumf>, %select_n3A_198, %reduce_min3A [1] : vector<256x128xf32> to vector<256xf32>
    %broadcast_in_dim3A_203 = vector.shape_cast %reduce_min3A_202 : vector<256xf32> to vector<256x1xf32>
    %iota3A = tpu.iota {dimensions = array<i32: 1>} : vector<256x128xi32>
    %eq3A = vector.broadcast %broadcast_in_dim3A_203 : vector<256x1xf32> to vector<256x128xf32>
    %eq3A_204 = arith.cmpf oeq, %select_n3A_198, %eq3A : vector<256x128xf32>
    %mul3A_205 = arith.constant 128 : i32
    %mul3A_206 = vector.broadcast %mul3A_205 : i32 to vector<256x128xi32>
    %mul3A_207 = arith.muli %select_n3A_201, %mul3A_206 : vector<256x128xi32>
    %add3A_208 = arith.addi %mul3A_207, %iota3A : vector<256x128xi32>
    %jit3A_209 = arith.constant 8192 : i32
    %broadcast_in_dim3A_210 = vector.broadcast %jit3A_209 : i32 to vector<256x128xi32>
    %select_n3A_211 = arith.select %eq3A_204, %add3A_208, %broadcast_in_dim3A_210 : vector<256x128xi1>, vector<256x128xi32>
    %squeeze3A = vector.shape_cast %broadcast_in_dim3A_203 : vector<256x1xf32> to vector<256xf32>
    %reduce_min3A_212 = arith.constant dense<2147483647> : vector<256xi32>
    %reduce_min3A_213 = vector.multi_reduction <minsi>, %select_n3A_211, %reduce_min3A_212 [1] : vector<256x128xi32> to vector<256xi32>
    %slice3A_214 = vector.extract_strided_slice %add3A_15 {offsets = [0, 4096], sizes = [256, 4096], strides = [1, 1]} : vector<256x8192xf32> to vector<256x4096xf32>
    %slice3A_215 = vector.extract_strided_slice %slice3A_214 {offsets = [0, 0], sizes = [256, 128], strides = [1, 1]} : vector<256x4096xf32> to vector<256x128xf32>
    %broadcast_in_dim3A_216 = arith.constant 0 : i32
    %broadcast_in_dim3A_217 = vector.broadcast %broadcast_in_dim3A_216 : i32 to vector<256x128xi32>
    %slice3A_218 = vector.extract_strided_slice %slice3A_214 {offsets = [0, 128], sizes = [256, 128], strides = [1, 1]} : vector<256x4096xf32> to vector<256x128xf32>
    %lt3A_219 = arith.cmpf olt, %slice3A_218, %slice3A_215 : vector<256x128xf32>
    %select_n3A_220 = arith.select %lt3A_219, %slice3A_218, %slice3A_215 : vector<256x128xi1>, vector<256x128xf32>
    %jit3A_221 = arith.constant 1 : i32
    %broadcast_in_dim3A_222 = vector.broadcast %jit3A_221 : i32 to vector<256x128xi32>
    %select_n3A_223 = arith.select %lt3A_219, %broadcast_in_dim3A_222, %broadcast_in_dim3A_217 : vector<256x128xi1>, vector<256x128xi32>
    %slice3A_224 = vector.extract_strided_slice %slice3A_214 {offsets = [0, 256], sizes = [256, 128], strides = [1, 1]} : vector<256x4096xf32> to vector<256x128xf32>
    %lt3A_225 = arith.cmpf olt, %slice3A_224, %select_n3A_220 : vector<256x128xf32>
    %select_n3A_226 = arith.select %lt3A_225, %slice3A_224, %select_n3A_220 : vector<256x128xi1>, vector<256x128xf32>
    %jit3A_227 = arith.constant 2 : i32
    %broadcast_in_dim3A_228 = vector.broadcast %jit3A_227 : i32 to vector<256x128xi32>
    %select_n3A_229 = arith.select %lt3A_225, %broadcast_in_dim3A_228, %select_n3A_223 : vector<256x128xi1>, vector<256x128xi32>
    %slice3A_230 = vector.extract_strided_slice %slice3A_214 {offsets = [0, 384], sizes = [256, 128], strides = [1, 1]} : vector<256x4096xf32> to vector<256x128xf32>
    %lt3A_231 = arith.cmpf olt, %slice3A_230, %select_n3A_226 : vector<256x128xf32>
    %select_n3A_232 = arith.select %lt3A_231, %slice3A_230, %select_n3A_226 : vector<256x128xi1>, vector<256x128xf32>
    %jit3A_233 = arith.constant 3 : i32
    %broadcast_in_dim3A_234 = vector.broadcast %jit3A_233 : i32 to vector<256x128xi32>
    %select_n3A_235 = arith.select %lt3A_231, %broadcast_in_dim3A_234, %select_n3A_229 : vector<256x128xi1>, vector<256x128xi32>
    %slice3A_236 = vector.extract_strided_slice %slice3A_214 {offsets = [0, 512], sizes = [256, 128], strides = [1, 1]} : vector<256x4096xf32> to vector<256x128xf32>
    %lt3A_237 = arith.cmpf olt, %slice3A_236, %select_n3A_232 : vector<256x128xf32>
    %select_n3A_238 = arith.select %lt3A_237, %slice3A_236, %select_n3A_232 : vector<256x128xi1>, vector<256x128xf32>
    %jit3A_239 = arith.constant 4 : i32
    %broadcast_in_dim3A_240 = vector.broadcast %jit3A_239 : i32 to vector<256x128xi32>
    %select_n3A_241 = arith.select %lt3A_237, %broadcast_in_dim3A_240, %select_n3A_235 : vector<256x128xi1>, vector<256x128xi32>
    %slice3A_242 = vector.extract_strided_slice %slice3A_214 {offsets = [0, 640], sizes = [256, 128], strides = [1, 1]} : vector<256x4096xf32> to vector<256x128xf32>
    %lt3A_243 = arith.cmpf olt, %slice3A_242, %select_n3A_238 : vector<256x128xf32>
    %select_n3A_244 = arith.select %lt3A_243, %slice3A_242, %select_n3A_238 : vector<256x128xi1>, vector<256x128xf32>
    %jit3A_245 = arith.constant 5 : i32
    %broadcast_in_dim3A_246 = vector.broadcast %jit3A_245 : i32 to vector<256x128xi32>
    %select_n3A_247 = arith.select %lt3A_243, %broadcast_in_dim3A_246, %select_n3A_241 : vector<256x128xi1>, vector<256x128xi32>
    %slice3A_248 = vector.extract_strided_slice %slice3A_214 {offsets = [0, 768], sizes = [256, 128], strides = [1, 1]} : vector<256x4096xf32> to vector<256x128xf32>
    %lt3A_249 = arith.cmpf olt, %slice3A_248, %select_n3A_244 : vector<256x128xf32>
    %select_n3A_250 = arith.select %lt3A_249, %slice3A_248, %select_n3A_244 : vector<256x128xi1>, vector<256x128xf32>
    %jit3A_251 = arith.constant 6 : i32
    %broadcast_in_dim3A_252 = vector.broadcast %jit3A_251 : i32 to vector<256x128xi32>
    %select_n3A_253 = arith.select %lt3A_249, %broadcast_in_dim3A_252, %select_n3A_247 : vector<256x128xi1>, vector<256x128xi32>
    %slice3A_254 = vector.extract_strided_slice %slice3A_214 {offsets = [0, 896], sizes = [256, 128], strides = [1, 1]} : vector<256x4096xf32> to vector<256x128xf32>
    %lt3A_255 = arith.cmpf olt, %slice3A_254, %select_n3A_250 : vector<256x128xf32>
    %select_n3A_256 = arith.select %lt3A_255, %slice3A_254, %select_n3A_250 : vector<256x128xi1>, vector<256x128xf32>
    %jit3A_257 = arith.constant 7 : i32
    %broadcast_in_dim3A_258 = vector.broadcast %jit3A_257 : i32 to vector<256x128xi32>
    %select_n3A_259 = arith.select %lt3A_255, %broadcast_in_dim3A_258, %select_n3A_253 : vector<256x128xi1>, vector<256x128xi32>
    %slice3A_260 = vector.extract_strided_slice %slice3A_214 {offsets = [0, 1024], sizes = [256, 128], strides = [1, 1]} : vector<256x4096xf32> to vector<256x128xf32>
    %lt3A_261 = arith.cmpf olt, %slice3A_260, %select_n3A_256 : vector<256x128xf32>
    %select_n3A_262 = arith.select %lt3A_261, %slice3A_260, %select_n3A_256 : vector<256x128xi1>, vector<256x128xf32>
    %jit3A_263 = arith.constant 8 : i32
    %broadcast_in_dim3A_264 = vector.broadcast %jit3A_263 : i32 to vector<256x128xi32>
    %select_n3A_265 = arith.select %lt3A_261, %broadcast_in_dim3A_264, %select_n3A_259 : vector<256x128xi1>, vector<256x128xi32>
    %slice3A_266 = vector.extract_strided_slice %slice3A_214 {offsets = [0, 1152], sizes = [256, 128], strides = [1, 1]} : vector<256x4096xf32> to vector<256x128xf32>
    %lt3A_267 = arith.cmpf olt, %slice3A_266, %select_n3A_262 : vector<256x128xf32>
    %select_n3A_268 = arith.select %lt3A_267, %slice3A_266, %select_n3A_262 : vector<256x128xi1>, vector<256x128xf32>
    %jit3A_269 = arith.constant 9 : i32
    %broadcast_in_dim3A_270 = vector.broadcast %jit3A_269 : i32 to vector<256x128xi32>
    %select_n3A_271 = arith.select %lt3A_267, %broadcast_in_dim3A_270, %select_n3A_265 : vector<256x128xi1>, vector<256x128xi32>
    %slice3A_272 = vector.extract_strided_slice %slice3A_214 {offsets = [0, 1280], sizes = [256, 128], strides = [1, 1]} : vector<256x4096xf32> to vector<256x128xf32>
    %lt3A_273 = arith.cmpf olt, %slice3A_272, %select_n3A_268 : vector<256x128xf32>
    %select_n3A_274 = arith.select %lt3A_273, %slice3A_272, %select_n3A_268 : vector<256x128xi1>, vector<256x128xf32>
    %jit3A_275 = arith.constant 10 : i32
    %broadcast_in_dim3A_276 = vector.broadcast %jit3A_275 : i32 to vector<256x128xi32>
    %select_n3A_277 = arith.select %lt3A_273, %broadcast_in_dim3A_276, %select_n3A_271 : vector<256x128xi1>, vector<256x128xi32>
    %slice3A_278 = vector.extract_strided_slice %slice3A_214 {offsets = [0, 1408], sizes = [256, 128], strides = [1, 1]} : vector<256x4096xf32> to vector<256x128xf32>
    %lt3A_279 = arith.cmpf olt, %slice3A_278, %select_n3A_274 : vector<256x128xf32>
    %select_n3A_280 = arith.select %lt3A_279, %slice3A_278, %select_n3A_274 : vector<256x128xi1>, vector<256x128xf32>
    %jit3A_281 = arith.constant 11 : i32
    %broadcast_in_dim3A_282 = vector.broadcast %jit3A_281 : i32 to vector<256x128xi32>
    %select_n3A_283 = arith.select %lt3A_279, %broadcast_in_dim3A_282, %select_n3A_277 : vector<256x128xi1>, vector<256x128xi32>
    %slice3A_284 = vector.extract_strided_slice %slice3A_214 {offsets = [0, 1536], sizes = [256, 128], strides = [1, 1]} : vector<256x4096xf32> to vector<256x128xf32>
    %lt3A_285 = arith.cmpf olt, %slice3A_284, %select_n3A_280 : vector<256x128xf32>
    %select_n3A_286 = arith.select %lt3A_285, %slice3A_284, %select_n3A_280 : vector<256x128xi1>, vector<256x128xf32>
    %jit3A_287 = arith.constant 12 : i32
    %broadcast_in_dim3A_288 = vector.broadcast %jit3A_287 : i32 to vector<256x128xi32>
    %select_n3A_289 = arith.select %lt3A_285, %broadcast_in_dim3A_288, %select_n3A_283 : vector<256x128xi1>, vector<256x128xi32>
    %slice3A_290 = vector.extract_strided_slice %slice3A_214 {offsets = [0, 1664], sizes = [256, 128], strides = [1, 1]} : vector<256x4096xf32> to vector<256x128xf32>
    %lt3A_291 = arith.cmpf olt, %slice3A_290, %select_n3A_286 : vector<256x128xf32>
    %select_n3A_292 = arith.select %lt3A_291, %slice3A_290, %select_n3A_286 : vector<256x128xi1>, vector<256x128xf32>
    %jit3A_293 = arith.constant 13 : i32
    %broadcast_in_dim3A_294 = vector.broadcast %jit3A_293 : i32 to vector<256x128xi32>
    %select_n3A_295 = arith.select %lt3A_291, %broadcast_in_dim3A_294, %select_n3A_289 : vector<256x128xi1>, vector<256x128xi32>
    %slice3A_296 = vector.extract_strided_slice %slice3A_214 {offsets = [0, 1792], sizes = [256, 128], strides = [1, 1]} : vector<256x4096xf32> to vector<256x128xf32>
    %lt3A_297 = arith.cmpf olt, %slice3A_296, %select_n3A_292 : vector<256x128xf32>
    %select_n3A_298 = arith.select %lt3A_297, %slice3A_296, %select_n3A_292 : vector<256x128xi1>, vector<256x128xf32>
    %jit3A_299 = arith.constant 14 : i32
    %broadcast_in_dim3A_300 = vector.broadcast %jit3A_299 : i32 to vector<256x128xi32>
    %select_n3A_301 = arith.select %lt3A_297, %broadcast_in_dim3A_300, %select_n3A_295 : vector<256x128xi1>, vector<256x128xi32>
    %slice3A_302 = vector.extract_strided_slice %slice3A_214 {offsets = [0, 1920], sizes = [256, 128], strides = [1, 1]} : vector<256x4096xf32> to vector<256x128xf32>
    %lt3A_303 = arith.cmpf olt, %slice3A_302, %select_n3A_298 : vector<256x128xf32>
    %select_n3A_304 = arith.select %lt3A_303, %slice3A_302, %select_n3A_298 : vector<256x128xi1>, vector<256x128xf32>
    %jit3A_305 = arith.constant 15 : i32
    %broadcast_in_dim3A_306 = vector.broadcast %jit3A_305 : i32 to vector<256x128xi32>
    %select_n3A_307 = arith.select %lt3A_303, %broadcast_in_dim3A_306, %select_n3A_301 : vector<256x128xi1>, vector<256x128xi32>
    %slice3A_308 = vector.extract_strided_slice %slice3A_214 {offsets = [0, 2048], sizes = [256, 128], strides = [1, 1]} : vector<256x4096xf32> to vector<256x128xf32>
    %lt3A_309 = arith.cmpf olt, %slice3A_308, %select_n3A_304 : vector<256x128xf32>
    %select_n3A_310 = arith.select %lt3A_309, %slice3A_308, %select_n3A_304 : vector<256x128xi1>, vector<256x128xf32>
    %jit3A_311 = arith.constant 16 : i32
    %broadcast_in_dim3A_312 = vector.broadcast %jit3A_311 : i32 to vector<256x128xi32>
    %select_n3A_313 = arith.select %lt3A_309, %broadcast_in_dim3A_312, %select_n3A_307 : vector<256x128xi1>, vector<256x128xi32>
    %slice3A_314 = vector.extract_strided_slice %slice3A_214 {offsets = [0, 2176], sizes = [256, 128], strides = [1, 1]} : vector<256x4096xf32> to vector<256x128xf32>
    %lt3A_315 = arith.cmpf olt, %slice3A_314, %select_n3A_310 : vector<256x128xf32>
    %select_n3A_316 = arith.select %lt3A_315, %slice3A_314, %select_n3A_310 : vector<256x128xi1>, vector<256x128xf32>
    %jit3A_317 = arith.constant 17 : i32
    %broadcast_in_dim3A_318 = vector.broadcast %jit3A_317 : i32 to vector<256x128xi32>
    %select_n3A_319 = arith.select %lt3A_315, %broadcast_in_dim3A_318, %select_n3A_313 : vector<256x128xi1>, vector<256x128xi32>
    %slice3A_320 = vector.extract_strided_slice %slice3A_214 {offsets = [0, 2304], sizes = [256, 128], strides = [1, 1]} : vector<256x4096xf32> to vector<256x128xf32>
    %lt3A_321 = arith.cmpf olt, %slice3A_320, %select_n3A_316 : vector<256x128xf32>
    %select_n3A_322 = arith.select %lt3A_321, %slice3A_320, %select_n3A_316 : vector<256x128xi1>, vector<256x128xf32>
    %jit3A_323 = arith.constant 18 : i32
    %broadcast_in_dim3A_324 = vector.broadcast %jit3A_323 : i32 to vector<256x128xi32>
    %select_n3A_325 = arith.select %lt3A_321, %broadcast_in_dim3A_324, %select_n3A_319 : vector<256x128xi1>, vector<256x128xi32>
    %slice3A_326 = vector.extract_strided_slice %slice3A_214 {offsets = [0, 2432], sizes = [256, 128], strides = [1, 1]} : vector<256x4096xf32> to vector<256x128xf32>
    %lt3A_327 = arith.cmpf olt, %slice3A_326, %select_n3A_322 : vector<256x128xf32>
    %select_n3A_328 = arith.select %lt3A_327, %slice3A_326, %select_n3A_322 : vector<256x128xi1>, vector<256x128xf32>
    %jit3A_329 = arith.constant 19 : i32
    %broadcast_in_dim3A_330 = vector.broadcast %jit3A_329 : i32 to vector<256x128xi32>
    %select_n3A_331 = arith.select %lt3A_327, %broadcast_in_dim3A_330, %select_n3A_325 : vector<256x128xi1>, vector<256x128xi32>
    %slice3A_332 = vector.extract_strided_slice %slice3A_214 {offsets = [0, 2560], sizes = [256, 128], strides = [1, 1]} : vector<256x4096xf32> to vector<256x128xf32>
    %lt3A_333 = arith.cmpf olt, %slice3A_332, %select_n3A_328 : vector<256x128xf32>
    %select_n3A_334 = arith.select %lt3A_333, %slice3A_332, %select_n3A_328 : vector<256x128xi1>, vector<256x128xf32>
    %jit3A_335 = arith.constant 20 : i32
    %broadcast_in_dim3A_336 = vector.broadcast %jit3A_335 : i32 to vector<256x128xi32>
    %select_n3A_337 = arith.select %lt3A_333, %broadcast_in_dim3A_336, %select_n3A_331 : vector<256x128xi1>, vector<256x128xi32>
    %slice3A_338 = vector.extract_strided_slice %slice3A_214 {offsets = [0, 2688], sizes = [256, 128], strides = [1, 1]} : vector<256x4096xf32> to vector<256x128xf32>
    %lt3A_339 = arith.cmpf olt, %slice3A_338, %select_n3A_334 : vector<256x128xf32>
    %select_n3A_340 = arith.select %lt3A_339, %slice3A_338, %select_n3A_334 : vector<256x128xi1>, vector<256x128xf32>
    %jit3A_341 = arith.constant 21 : i32
    %broadcast_in_dim3A_342 = vector.broadcast %jit3A_341 : i32 to vector<256x128xi32>
    %select_n3A_343 = arith.select %lt3A_339, %broadcast_in_dim3A_342, %select_n3A_337 : vector<256x128xi1>, vector<256x128xi32>
    %slice3A_344 = vector.extract_strided_slice %slice3A_214 {offsets = [0, 2816], sizes = [256, 128], strides = [1, 1]} : vector<256x4096xf32> to vector<256x128xf32>
    %lt3A_345 = arith.cmpf olt, %slice3A_344, %select_n3A_340 : vector<256x128xf32>
    %select_n3A_346 = arith.select %lt3A_345, %slice3A_344, %select_n3A_340 : vector<256x128xi1>, vector<256x128xf32>
    %jit3A_347 = arith.constant 22 : i32
    %broadcast_in_dim3A_348 = vector.broadcast %jit3A_347 : i32 to vector<256x128xi32>
    %select_n3A_349 = arith.select %lt3A_345, %broadcast_in_dim3A_348, %select_n3A_343 : vector<256x128xi1>, vector<256x128xi32>
    %slice3A_350 = vector.extract_strided_slice %slice3A_214 {offsets = [0, 2944], sizes = [256, 128], strides = [1, 1]} : vector<256x4096xf32> to vector<256x128xf32>
    %lt3A_351 = arith.cmpf olt, %slice3A_350, %select_n3A_346 : vector<256x128xf32>
    %select_n3A_352 = arith.select %lt3A_351, %slice3A_350, %select_n3A_346 : vector<256x128xi1>, vector<256x128xf32>
    %jit3A_353 = arith.constant 23 : i32
    %broadcast_in_dim3A_354 = vector.broadcast %jit3A_353 : i32 to vector<256x128xi32>
    %select_n3A_355 = arith.select %lt3A_351, %broadcast_in_dim3A_354, %select_n3A_349 : vector<256x128xi1>, vector<256x128xi32>
    %slice3A_356 = vector.extract_strided_slice %slice3A_214 {offsets = [0, 3072], sizes = [256, 128], strides = [1, 1]} : vector<256x4096xf32> to vector<256x128xf32>
    %lt3A_357 = arith.cmpf olt, %slice3A_356, %select_n3A_352 : vector<256x128xf32>
    %select_n3A_358 = arith.select %lt3A_357, %slice3A_356, %select_n3A_352 : vector<256x128xi1>, vector<256x128xf32>
    %jit3A_359 = arith.constant 24 : i32
    %broadcast_in_dim3A_360 = vector.broadcast %jit3A_359 : i32 to vector<256x128xi32>
    %select_n3A_361 = arith.select %lt3A_357, %broadcast_in_dim3A_360, %select_n3A_355 : vector<256x128xi1>, vector<256x128xi32>
    %slice3A_362 = vector.extract_strided_slice %slice3A_214 {offsets = [0, 3200], sizes = [256, 128], strides = [1, 1]} : vector<256x4096xf32> to vector<256x128xf32>
    %lt3A_363 = arith.cmpf olt, %slice3A_362, %select_n3A_358 : vector<256x128xf32>
    %select_n3A_364 = arith.select %lt3A_363, %slice3A_362, %select_n3A_358 : vector<256x128xi1>, vector<256x128xf32>
    %jit3A_365 = arith.constant 25 : i32
    %broadcast_in_dim3A_366 = vector.broadcast %jit3A_365 : i32 to vector<256x128xi32>
    %select_n3A_367 = arith.select %lt3A_363, %broadcast_in_dim3A_366, %select_n3A_361 : vector<256x128xi1>, vector<256x128xi32>
    %slice3A_368 = vector.extract_strided_slice %slice3A_214 {offsets = [0, 3328], sizes = [256, 128], strides = [1, 1]} : vector<256x4096xf32> to vector<256x128xf32>
    %lt3A_369 = arith.cmpf olt, %slice3A_368, %select_n3A_364 : vector<256x128xf32>
    %select_n3A_370 = arith.select %lt3A_369, %slice3A_368, %select_n3A_364 : vector<256x128xi1>, vector<256x128xf32>
    %jit3A_371 = arith.constant 26 : i32
    %broadcast_in_dim3A_372 = vector.broadcast %jit3A_371 : i32 to vector<256x128xi32>
    %select_n3A_373 = arith.select %lt3A_369, %broadcast_in_dim3A_372, %select_n3A_367 : vector<256x128xi1>, vector<256x128xi32>
    %slice3A_374 = vector.extract_strided_slice %slice3A_214 {offsets = [0, 3456], sizes = [256, 128], strides = [1, 1]} : vector<256x4096xf32> to vector<256x128xf32>
    %lt3A_375 = arith.cmpf olt, %slice3A_374, %select_n3A_370 : vector<256x128xf32>
    %select_n3A_376 = arith.select %lt3A_375, %slice3A_374, %select_n3A_370 : vector<256x128xi1>, vector<256x128xf32>
    %jit3A_377 = arith.constant 27 : i32
    %broadcast_in_dim3A_378 = vector.broadcast %jit3A_377 : i32 to vector<256x128xi32>
    %select_n3A_379 = arith.select %lt3A_375, %broadcast_in_dim3A_378, %select_n3A_373 : vector<256x128xi1>, vector<256x128xi32>
    %slice3A_380 = vector.extract_strided_slice %slice3A_214 {offsets = [0, 3584], sizes = [256, 128], strides = [1, 1]} : vector<256x4096xf32> to vector<256x128xf32>
    %lt3A_381 = arith.cmpf olt, %slice3A_380, %select_n3A_376 : vector<256x128xf32>
    %select_n3A_382 = arith.select %lt3A_381, %slice3A_380, %select_n3A_376 : vector<256x128xi1>, vector<256x128xf32>
    %jit3A_383 = arith.constant 28 : i32
    %broadcast_in_dim3A_384 = vector.broadcast %jit3A_383 : i32 to vector<256x128xi32>
    %select_n3A_385 = arith.select %lt3A_381, %broadcast_in_dim3A_384, %select_n3A_379 : vector<256x128xi1>, vector<256x128xi32>
    %slice3A_386 = vector.extract_strided_slice %slice3A_214 {offsets = [0, 3712], sizes = [256, 128], strides = [1, 1]} : vector<256x4096xf32> to vector<256x128xf32>
    %lt3A_387 = arith.cmpf olt, %slice3A_386, %select_n3A_382 : vector<256x128xf32>
    %select_n3A_388 = arith.select %lt3A_387, %slice3A_386, %select_n3A_382 : vector<256x128xi1>, vector<256x128xf32>
    %jit3A_389 = arith.constant 29 : i32
    %broadcast_in_dim3A_390 = vector.broadcast %jit3A_389 : i32 to vector<256x128xi32>
    %select_n3A_391 = arith.select %lt3A_387, %broadcast_in_dim3A_390, %select_n3A_385 : vector<256x128xi1>, vector<256x128xi32>
    %slice3A_392 = vector.extract_strided_slice %slice3A_214 {offsets = [0, 3840], sizes = [256, 128], strides = [1, 1]} : vector<256x4096xf32> to vector<256x128xf32>
    %lt3A_393 = arith.cmpf olt, %slice3A_392, %select_n3A_388 : vector<256x128xf32>
    %select_n3A_394 = arith.select %lt3A_393, %slice3A_392, %select_n3A_388 : vector<256x128xi1>, vector<256x128xf32>
    %jit3A_395 = arith.constant 30 : i32
    %broadcast_in_dim3A_396 = vector.broadcast %jit3A_395 : i32 to vector<256x128xi32>
    %select_n3A_397 = arith.select %lt3A_393, %broadcast_in_dim3A_396, %select_n3A_391 : vector<256x128xi1>, vector<256x128xi32>
    %slice3A_398 = vector.extract_strided_slice %slice3A_214 {offsets = [0, 3968], sizes = [256, 128], strides = [1, 1]} : vector<256x4096xf32> to vector<256x128xf32>
    %lt3A_399 = arith.cmpf olt, %slice3A_398, %select_n3A_394 : vector<256x128xf32>
    %select_n3A_400 = arith.select %lt3A_399, %slice3A_398, %select_n3A_394 : vector<256x128xi1>, vector<256x128xf32>
    %jit3A_401 = arith.constant 31 : i32
    %broadcast_in_dim3A_402 = vector.broadcast %jit3A_401 : i32 to vector<256x128xi32>
    %select_n3A_403 = arith.select %lt3A_399, %broadcast_in_dim3A_402, %select_n3A_397 : vector<256x128xi1>, vector<256x128xi32>
    %reduce_min3A_404 = arith.constant dense<0x7F800000> : vector<256xf32>
    %reduce_min3A_405 = vector.multi_reduction <minimumf>, %select_n3A_400, %reduce_min3A_404 [1] : vector<256x128xf32> to vector<256xf32>
    %broadcast_in_dim3A_406 = vector.shape_cast %reduce_min3A_405 : vector<256xf32> to vector<256x1xf32>
    %iota3A_407 = tpu.iota {dimensions = array<i32: 1>} : vector<256x128xi32>
    %eq3A_408 = vector.broadcast %broadcast_in_dim3A_406 : vector<256x1xf32> to vector<256x128xf32>
    %eq3A_409 = arith.cmpf oeq, %select_n3A_400, %eq3A_408 : vector<256x128xf32>
    %mul3A_410 = arith.constant 128 : i32
    %mul3A_411 = vector.broadcast %mul3A_410 : i32 to vector<256x128xi32>
    %mul3A_412 = arith.muli %select_n3A_403, %mul3A_411 : vector<256x128xi32>
    %add3A_413 = arith.addi %mul3A_412, %iota3A_407 : vector<256x128xi32>
    %jit3A_414 = arith.constant 8192 : i32
    %broadcast_in_dim3A_415 = vector.broadcast %jit3A_414 : i32 to vector<256x128xi32>
    %select_n3A_416 = arith.select %eq3A_409, %add3A_413, %broadcast_in_dim3A_415 : vector<256x128xi1>, vector<256x128xi32>
    %squeeze3A_417 = vector.shape_cast %broadcast_in_dim3A_406 : vector<256x1xf32> to vector<256xf32>
    %reduce_min3A_418 = arith.constant dense<2147483647> : vector<256xi32>
    %reduce_min3A_419 = vector.multi_reduction <minsi>, %select_n3A_416, %reduce_min3A_418 [1] : vector<256x128xi32> to vector<256xi32>
    %convert_element_type3A = arith.truncf %squeeze3A : vector<256xf32> to vector<256xbf16>
    %convert_element_type3A_420 = arith.extf %convert_element_type3A : vector<256xbf16> to vector<256xf32>
    %lt3A_421 = arith.cmpf olt, %squeeze3A_417, %convert_element_type3A_420 : vector<256xf32>
    %add3A_422 = arith.constant 4096 : i32
    %add3A_423 = vector.broadcast %add3A_422 : i32 to vector<256xi32>
    %add3A_424 = arith.addi %reduce_min3A_419, %add3A_423 : vector<256xi32>
    %select_n3A_425 = arith.select %lt3A_421, %add3A_424, %reduce_min3A_213 : vector<256xi1>, vector<256xi32>
    %swap3A = arith.constant 0 : index
    %swap3A_426 = vector.load %arg3[%swap3A] : memref<256xi32, #tpu.memory_space<vmem>>, vector<256xi32>
    tpu.vector_store %arg3[%swap3A], %select_n3A_425 {strides = array<i32>} : memref<256xi32, #tpu.memory_space<vmem>>, vector<256xi32>,
    return
  }
  func.func @transform_0(%arg0: i32) -> (i32, i32) {
    %c0_i32 = arith.constant 0 : i32
    %c0_i32_0 = arith.constant 0 : i32
    return %arg0, %c0_i32 : i32, i32
  }
  func.func @transform_1(%arg0: i32) -> (i32, i32) {
    %c0_i32 = arith.constant 0 : i32
    %c0_i32_0 = arith.constant 0 : i32
    %c0_i32_1 = arith.constant 0 : i32
    return %c0_i32, %c0_i32_0 : i32, i32
  }
  func.func @transform_2(%arg0: i32) -> i32 {
    %c0_i32 = arith.constant 0 : i32
    return %arg0 : i32
  }
}

</mosaic_0001>

<sc_bundles>
// kernel: kernel.4.cloned.1.call-start
scs
__scs_entry_jumppad:
0x0: {  	(pc) =	sbr.rel $0x88, $3  }
0x1: {  	(tag) =	ssettag $0x0;
	lr =	simm.s32 $0x1  }
0x2: {  	[smem:$0x3F9F] =	sst lr;
	_ =	strace $0xD0000000  }
0x3: {  	_ = 	snop  }
0x4: {  	_ = 	snop  }
0x5: {  	_ = 	snop  }
0x6: {  	_ = 	snop  }
0x7: {  	_ = 	snop  }
__scs_overlays_trampoline_lowered:
0x8: {  	[smem:$0x3FAE] =	sst s0  }
0x9: {  	[smem:$0x3FAF] =	sst s1  }
0xa: {  	[smem:$0x3FB0] =	sst s2  }
0xb: {  	[smem:$0x3FB1] =	sst s3  }
0xc: {  	[smem:$0x3FB2] =	sst s4  }
0xd: {  	[smem:$0x3FB3] =	sst s5  }
0xe: {  	[smem:$0x3FB4] =	sst s6  }
0xf: {  	[smem:$0x3FB5] =	sst s7  }
0x10: {  	[smem:$0x3FB6] =	sst s8  }
0x11: {  	[smem:$0x3FB7] =	sst s9;
	s0 =	simm.s32 @!p0 $0x0  }
0x12: {  	s1 =	sld [smem:$0x3F9D];
	s0 =	simm.s32 @p0 $0x1  }
0x13: {  	[smem:$0x3FB8] =	sst s0;
	s0 =	simm.s32 @!p1 $0x0  }
0x14: {  	s2 =	sld [smem:$0x3F9C];
	s0 =	simm.s32 @p1 $0x1  }
0x15: {  	[smem:$0x3FB9] =	sst s0;
	s0 =	simm.s32 @!p2 $0x0  }
0x16: {  	s3 =	sld [smem:$0x3FDB];
	s0 =	simm.s32 @p2 $0x1  }
0x17: {  	s4 =	simm.s32 $0x1BF5;
	[smem:$0x3FBB] =	sst s0  }
0x18: {  	s0 =	sld [smem:$0x3F9E];
	_ =	swait.ge [sflag:s4], $0x0  }
0x19: {  	s7 =	sld [smem:$0x3F9F]  }
0x1a: {  	s8 =	sadd.s32 $0xFFFFE003, lr  }
0x1b: {  	s9 =	sadd.s32 $0xFFFFFEF7, lr;
	s5 =	simm.s32 $0xFFFFFFFF;
	p2 =	slt.u32 s8, $0xFFFFF086  }
0x1c: {  	p1 =	slt.u32 s9, $0xF7A;
	s5 =	simm.s32 @!p2 $0x0  }
0x1d: {  	s5 =	simm.s32 @p1 $0x1;
	p0 =	seq.s32 s7, s2  }
0x1e: {  	s7 =	smul.u32 @!p0 $0xF7A, s2;
	p2 =	seq.s32 @!p0 s5, $0x0  }
0x1f: {  	s9 =	smul.u32 $0xF7A, s1;
	s8 =	simm.s32 @!p0 $0x1BF5;
	p2 =	por !p2, p0  }
0x20: {  	[sflag:s8] =	ssyncset.s32 @!p0 $0xFFFFF086;
	s6 =	sadd.s32 @!p0 s3, s7;
	s7 =	simm.s32 @!p0 $0x108  }
0x21: {  	s3 =	sadd.s32 s3, s9;
	s6 =	sadd.s32 @!p0 $0x88, s6;
	s7 =	simm.s32 @p2 $0x1082  }
0x22: {  	[simem:s7], [sflag:s8] =	dma.local @!p0 [hbm:s6], $0xF7A  }
0x23: {  	s9 =	sor.u32 $0xD0000000, s2;
	s6 =	simm.s32 $0x108;
	_ =	swait.ge @!p0 [sflag:s8], $0x0  }
0x24: {  	s3 =	sadd.s32 $0x88, s3;
	s6 =	simm.s32 @!p1 $0x1082;
	[sflag:s4] =	ssyncset.s32 $0xFFFFF086  }
0x25: {  	[simem:s6], [sflag:s4] =	dma.local [hbm:s3], $0xF7A  }
0x26: {  	[smem:$0x3F9F] =	sst s1;
	(tag) =	ssettag s2;
	_ =	strace s9  }
0x27: {  	s1 =	sld [smem:$0x3FAF]  }
0x28: {  	s2 =	sld [smem:$0x3FB0]  }
0x29: {  	s4 =	sld [smem:$0x3FB2]  }
0x2a: {  	p0 =	seq.s32 s5, $0x0;
	s5 =	sld [smem:$0x3FB3]  }
0x2b: {  	s6 =	sld [smem:$0x3FB4]  }
0x2c: {  	s7 =	sld [smem:$0x3FB5]  }
0x2d: {  	s3 =	simm.s32 $0x108;
	s8 =	sld [smem:$0x3FB6]  }
0x2e: {  	s3 =	simm.s32 @!p0 $0x1082;
	s9 =	sld [smem:$0x3FB7]  }
0x2f: {  	lr =	sadd.s32 s0, s3;
	s0 =	sld [smem:$0x3FAE]  }
0x30: {  	s3 =	sld [smem:$0x3FB1]  }
0x31: {  	[smem:$0x3FBA] =	sst s10  }
0x32: {  	s10 =	sld [smem:$0x3FB8];
	_ =	sdelay $0x3  }
0x33: {  	p0 =	seq.s32 s10, $0x1;
	s10 =	sld [smem:$0x3FBA];
	_ =	sdelay $0x3  }
0x34: {  	[smem:$0x3FBA] =	sst s10  }
0x35: {  	s10 =	sld [smem:$0x3FB9];
	_ =	sdelay $0x3  }
0x36: {  	p1 =	seq.s32 s10, $0x1;
	s10 =	sld [smem:$0x3FBA];
	_ =	sdelay $0x3  }
0x37: {  	[smem:$0x3FBA] =	sst s10  }
0x38: {  	s10 =	sld [smem:$0x3FBB]  }
0x39: {  	_ = 	snop;
	(pc) =	sbr.ind lr, $3  }
0x3a: {  	_ = 	snop  }
0x3b: {  	_ = 	snop  }
0x3c: {  	p2 =	seq.s32 s10, $0x1;
	s10 =	sld [smem:$0x3FBA]  }
0x3d: {  	_ =	shalt  }
0x3e: {  	_ =	shalt  }
0x3f: {  	_ =	shalt  }
0x40: {  	_ =	shalt  }
0x41: {  	_ =	shalt  }
0x42: {  	_ =	shalt  }
0x43: {  	_ =	shalt  }
0x44: {  	_ =	shalt  }
0x45: {  	_ =	shalt  }
0x46: {  	_ =	shalt  }
0x47: {  	_ =	shalt  }
0x48: {  	_ =	shalt  }
0x49: {  	_ =	shalt  }
0x4a: {  	_ =	shalt  }
0x4b: {  	_ =	shalt  }
0x4c: {  	_ =	shalt  }
0x4d: {  	_ =	shalt  }
0x4e: {  	_ =	shalt  }
0x4f: {  	_ =	shalt  }
0x50: {  	_ =	shalt  }
0x51: {  	_ =	shalt  }
0x52: {  	_ =	shalt  }
0x53: {  	_ =	shalt  }
0x54: {  	_ =	shalt  }
0x55: {  	_ =	shalt  }
0x56: {  	_ =	shalt  }
0x57: {  	_ =	shalt  }
0x58: {  	_ =	shalt  }
0x59: {  	_ =	shalt  }
0x5a: {  	_ =	shalt  }
0x5b: {  	_ =	shalt  }
0x5c: {  	_ =	shalt  }
0x5d: {  	_ =	shalt  }
0x5e: {  	_ =	shalt  }
0x5f: {  	_ =	shalt  }
0x60: {  	_ =	shalt  }
0x61: {  	_ =	shalt  }
0x62: {  	_ =	shalt  }
0x63: {  	_ =	shalt  }
0x64: {  	_ =	shalt  }
0x65: {  	_ =	shalt  }
0x66: {  	_ =	shalt  }
0x67: {  	_ =	shalt  }
0x68: {  	_ =	shalt  }
0x69: {  	_ =	shalt  }
0x6a: {  	_ =	shalt  }
0x6b: {  	_ =	shalt  }
0x6c: {  	_ =	shalt  }
0x6d: {  	_ =	shalt  }
0x6e: {  	_ =	shalt  }
0x6f: {  	_ =	shalt  }
0x70: {  	_ =	shalt  }
0x71: {  	_ =	shalt  }
0x72: {  	_ =	shalt  }
0x73: {  	_ =	shalt  }
0x74: {  	_ =	shalt  }
0x75: {  	_ =	shalt  }
0x76: {  	_ =	shalt  }
0x77: {  	_ =	shalt  }
0x78: {  	_ =	shalt  }
0x79: {  	_ =	shalt  }
0x7a: {  	_ =	shalt  }
0x7b: {  	_ =	shalt  }
0x7c: {  	_ =	shalt  }
0x7d: {  	_ =	shalt  }
0x7e: {  	_ =	shalt  }
0x7f: {  	_ =	shalt  }
0x80: {  	_ =	shalt  }
0x81: {  	_ =	shalt  }
0x82: {  	_ =	shalt  }
0x83: {  	_ =	shalt  }
0x84: {  	_ =	shalt  }
0x85: {  	_ =	shalt  }
0x86: {  	_ =	shalt  }
0x87: {  	_ =	shalt  }
.Lfunc_end0:
.L_simem_size_0:
called_computation_lowered:
.L_overlay_start_0:
0x88: {  	s2 =	sld [smem:$0x3FD9]  }
0x89: {  	s3 =	sld [smem:$0x3FFE];
	_ =	sdelay $0x1  }
0x8a: {  	s1 =	srdreg.scid  }
0x8b: {  	s0 =	sand.u32 $0x1, s1  }
0x8c: {  	s14 =	sshll.u32 s0, $0xA;
	s2 =	sadd.s32 s3, s2  }
0x8d: {  	s2 =	sadd.s32 s2, s14  }
0x8e: {  	[smem:$0x3FC6] =	sst s2  }
0x8f: {  	_ = 	snop  }
0x90: {  	s2 =	sld [smem:$0x3FD0];
	_ =	sdelay $0x2  }
0x91: {  	s15 =	simm.s32 $0xA;
	s4 =	simm.s32 $0x10  }
0x92: {  	[smem:s4], [sflag:s15] =	dma.local [hbm:s2], $0x1  }
0x93: {  	_ =	swait.eq [sflag:s15], $0x1  }
0x94: {  	[sflag:s15] =	ssyncset.done $0x0  }
0x95: {  	[sflag:s15] =	ssyncadd.s32 $0xFFFFFFFF  }
0x96: {  	s16 =	sld [smem:$0x10];
	(tm) =	ssettm $0x1  }
0x97: {  	s17 =	sld [smem:$0x3FFB];
	_ =	sdelay $0x3  }
0x98: {  	_ =	strace s17  }
0x99: {  	s3 =	sld [smem:$0x3FFC];
	_ =	sdelay $0x3  }
0x9a: {  	_ =	strace s3  }
0x9b: {  	s3 =	sld [smem:$0x3FFD];
	_ =	sdelay $0x3  }
0x9c: {  	_ =	strace s3  }
0x9d: {  	_ =	strace $0x8FFFFFFF  }
0x9e: {  	s18 =	sld [smem:$0x3FDB];
	_ =	sdelay $0x1  }
0x9f: {  	s19 =	simm.s32 $_scs_section_size  }
0xa0: {  	s5 =	simm.s32 $_size__tile_overlayer_lowered;
	s6 =	simm.s32 $_tile_overlayer_lowered  }
0xa1: {  	s22 =	simm.s32 $0x1BFF;
	s21 =	sshll.u32 s6, $0x1;
	s3 =	sadd.s32 s19, s18  }
0xa2: {  	s7 =	simm.s32 $0x0;
	s20 =	sshll.u32 s5, $0x1;
	s5 =	sadd.s32 s21, s3  }
0xa3: {  	[timem:s7], [sflag:s22] =	dma.local [hbm:s5], s20  }
0xa4: {  	_ =	swait.ge [sflag:s22], s20  }
0xa5: {  	s4 =	ssub.s32 $0x0, s20;
	[sflag:s22] =	ssyncset.done $0x0  }
0xa6: {  	[sflag:s22] =	ssyncadd.s32 s4;
	_ =	sdelay $0x1  }
0xa7: {  	s23 =	simm.s32 $0x1B8B  }
0xa8: {  	_ =	swait.ge [sflag:s23], $0x1  }
0xa9: {  	[sflag:s23] =	ssyncset.done $0x0  }
0xaa: {  	s25 =	simm.s32 $0x1B8E;
	s24 =	sld [smem:$0x3FFE];
	[sflag:s23] =	ssyncadd.s32 $0xFFFFFFFF  }
0xab: {  	s26 =	simm.s32 $execute0_lowered;
	[smem:$0x3FD2] =	sst s25  }
0xac: {  	s5 =	sshll.u32 s26, $0x1;
	_ =	strace $0x80000046;
	[dreg:$0x1] =	wrdreg $0xFFFFFFFF  }
0xad: {  	s28 =	simm.s32 $_size_execute0_lowered;
	s3 =	sadd.s32 s3, s5;
	[dreg:$0x0] =	wrdreg $0x0  }
0xae: {  	s5 =	sshll.u32 s28, $0x1;
	[dreg:$0x2] =	wrdreg s3  }
0xaf: {  	[dreg:$0x3] =	wrdreg s5  }
0xb0: {  	[dreg:$0x4] =	wrdreg $0xC0  }
0xb1: {  	_ =	task [dreg:s7], $0x5FFFF  }
0xb2: {  	[dreg:$0x1] =	wrdreg $0xFFFFFFFF  }
0xb3: {  	[dreg:$0x0] =	wrdreg $0x60  }
0xb4: {  	[dreg:$0x2] =	wrdreg s24  }
0xb5: {  	[dreg:$0x3] =	wrdreg s16  }
0xb6: {  	[dreg:$0x4] =	wrdreg $0x9  }
0xb7: {  	_ =	task.clear_ibuf [dreg:s7], $0x5FFFF;
	_ =	strace $0x90000046  }
0xb8: {  	s29 =	simm.s32 $0x9;
	_ =	strace $0x80000048  }
0xb9: {  	_ =	swait.ge [sflag:s29], $0x1  }
0xba: {  	[sflag:s29] =	ssyncadd.s32 $0xFFFFFFFF  }
0xbb: {  	_ =	strace $0x90000048  }
0xbc: {  	_ =	sfence  }
0xbd: {  	s30 =	sld [smem:$0x0];
	_ =	sdelay $0x2  }
0xbe: {  	s31 =	sshll.u32 s1, $0xD;
	s1 =	sshrl.u32 s1, $0x2  }
0xbf: {  	s3 =	sand.u32 $0x4000, s31;
	s1 =	sadd.s32 s1, s30  }
0xc0: {  	s0 =	sor.u32 s3, s0;
	s1 =	sshll.u32 s1, $0x11  }
0xc1: {  	s0 =	sor.u32 s1, s0  }
0xc2: {  	s0 =	sadd.s32 $0x8F2B, s0  }
0xc3: {  	[sflag:s0] =	ssyncadd.remote.s32 $0x1  }
0xc4: {  	_ =	sfence.sel $0xFFFF  }
0xc5: {  	[dreg:$0x0] =	wrdreg $0xFFFFFFFF;
	(pc) =	sbr.abs _section_cstart, $3  }
0xc6: {  	[dreg:$0x1] =	wrdreg $0xFFFFFFFF  }
0xc7: {  	_ =	task.clear_ibuf [dreg:s7], $0x2FFFF;
	_ =	strace $0x9FFFFFFF  }
0xc8: {  	(tm) =	ssettm $0x7FFFFFFF  }
0xc9: {  	_ =	shalt  }
tec
execute0_lowered:
.L_overlay_start_1:
0x0: {  	(tag) =	ssettag $0x1  }
0x1: {  	s1 =	srdreg.scid  }
0x2: {  	s0 =	stileid.u32;
	s17 =	sand.u32 $0x1, s1  }
0x3: {  	s11 =	rddreg [dreg:$0x0];
	s2 =	sshll.u32 s0, $0x9;
	s1 =	sshll.u32 s17, $0xD  }
0x4: {  	s18 =	rddreg [dreg:$0x1];
	s19 =	sor.u32 s2, s1  }
0x5: {  	s1 =	rddreg [dreg:$0x2];
	s2 =	simm.s32 $0x0;
	s3 =	sshrl.u32 s19, $0x3  }
0x6: {  	[smem:$0x7FF] =	sst s2;
	s9 =	sadd.s32 s3, s11  }
0x7: {  	_ =	strace $0x80000047;
	s3 =	simm.s32 $0x2;
	s4 =	sadd.s32 $0x8C00, s9  }
0x8: {  	[tilespmem:s2], [sflag:$0x2] =	stream.linear.gather [hbm4b:s4+s2], $0x80, $0x38;
	[tilespmem:$0x4200] =	vst v63  }
0x9: {  	_ =	swait.ge [sflag:s3], $0x80  }
0xa: {  	[sflag:s3] =	ssyncset.done $0x0  }
0xb: {  	s6 =	simm.s32 $0x80;
	s5 =	sadd.s32 $0x8C10, s9;
	[sflag:s3] =	ssyncadd.s32 $0xFFFFFF80  }
0xc: {  	[tilespmem:s6], [sflag:$0x2] =	stream.linear.gather [hbm4b:s5+s2], $0x80, $0x38;
	[tilespmem:$0x4200] =	vst v63  }
0xd: {  	_ =	swait.ge [sflag:s3], $0x80  }
0xe: {  	[sflag:s3] =	ssyncset.done $0x0  }
0xf: {  	s8 =	simm.s32 $0x100;
	s7 =	sadd.s32 $0x8C20, s9;
	[sflag:s3] =	ssyncadd.s32 $0xFFFFFF80  }
0x10: {  	[tilespmem:s8], [sflag:$0x2] =	stream.linear.gather [hbm4b:s7+s2], $0x80, $0x38;
	[tilespmem:$0x4200] =	vst v63  }
0x11: {  	_ =	swait.ge [sflag:s3], $0x80  }
0x12: {  	[sflag:s3] =	ssyncset.done $0x0  }
0x13: {  	s10 =	simm.s32 $0x180;
	s9 =	sadd.s32 $0x8C30, s9;
	[sflag:s3] =	ssyncadd.s32 $0xFFFFFF80  }
0x14: {  	[tilespmem:s10], [sflag:$0x2] =	stream.linear.gather [hbm4b:s9+s2], $0x80, $0x38;
	[tilespmem:$0x4200] =	vst v63  }
0x15: {  	_ =	swait.ge [sflag:s3], $0x80  }
0x16: {  	[sflag:s3] =	ssyncset.done $0x0  }
0x17: {  	s12 =	simm.s32 $0x200;
	s11 =	sadd.s32 $0xC00, s11;
	[sflag:s3] =	ssyncadd.s32 $0xFFFFFF80  }
0x18: {  	[tilespmem:s12], [sflag:$0x1] =	stream.indirect.gather [hbm4b:s11+s6], $0x20, s2, s6, $0xb8;
	[tilespmem:$0x4200] =	vst v63  }
0x19: {  	s13 =	simm.s32 $0x1200  }
0x1a: {  	[tilespmem:s13], [sflag:$0x1] =	stream.indirect.gather [hbm4b:s11+s6], $0x20, s6, s6, $0xb8;
	[tilespmem:$0x4200] =	vst v63  }
0x1b: {  	s14 =	simm.s32 $0x2200  }
0x1c: {  	[tilespmem:s14], [sflag:$0x1] =	stream.indirect.gather [hbm4b:s11+s6], $0x20, s8, s6, $0xb8;
	[tilespmem:$0x4200] =	vst v63  }
0x1d: {  	s15 =	simm.s32 $0x3200;
	s16 =	simm.s32 $0x1  }
0x1e: {  	[tilespmem:s15], [sflag:$0x1] =	stream.indirect.gather [hbm4b:s11+s6], $0x20, s10, s6, $0xb8;
	[tilespmem:$0x4200] =	vst v63  }
0x1f: {  	_ =	swait.ge [sflag:s16], $0x1000  }
0x20: {  	[sflag:s16] =	ssyncset.done $0x0  }
0x21: {  	[sflag:s16] =	ssyncadd.s32 $0xFFFFF000  }
0x22: {  	_ =	swait.ge [sflag:s16], $0x1000  }
0x23: {  	[sflag:s16] =	ssyncset.done $0x0  }
0x24: {  	s17 =	ssub.s32 $0x2, s17;
	[sflag:s16] =	ssyncadd.s32 $0xFFFFF000  }
0x25: {  	s20 =	sshrl.u32 s17, $0x1;
	_ =	swait.ge [sflag:s16], $0x1000  }
0x26: {  	s20 =	ssub.s32 s17, s20;
	[sflag:s16] =	ssyncset.done $0x0  }
0x27: {  	s31 =	smax.u32 s20, $0x1;
	[sflag:s16] =	ssyncadd.s32 $0xFFFFF000  }
0x28: {  	p0 =	sne.s32 s31, $0x1;
	_ =	swait.ge [sflag:s16], $0x1000  }
.Ltmp0:
0x29: {  	s30 =	sshll.u32 s19, $0x2;
	[sflag:s16] =	ssyncset.done $0x0;
	(pc) =	sbr.rel @!p0 .LBB2_2-.Ltmp0, $4  }
0x2a: {  	s17 =	sadd.s32 s18, s30;
	[sflag:s16] =	ssyncadd.s32 $0xFFFFF000  }
0x2b: {  	[hbm4b:s17+s2] =	stream.linear.scatter [tilespmem:s12], [sflag:$0x2], $0x4000, $0x38;
	[tilespmem:$0x4200] =	vst v63  }
0x2c: {  	_ =	swait.ge [sflag:s3], $0x4000  }
0x2d: {  	s18 =	sadd.s32 $0xFFFFFFFF, s31;
	[sflag:s3] =	ssyncset.done $0x0  }
.LBB2_1:
0x2e: {  	p0 =	sne.s32 s18, $0x1;
	s18 =	sadd.s32 $0xFFFFFFFF, s18;
	[sflag:s3] =	ssyncadd.s32 $0xFFFFC000  }
0x2f: {  	[tilespmem:s2], [sflag:$0x2] =	stream.linear.gather [hbm4b:s4+s2], $0x80, $0x38;
	[tilespmem:$0x4200] =	vst v63  }
0x30: {  	_ =	swait.ge [sflag:s3], $0x80  }
0x31: {  	[sflag:s3] =	ssyncset.done $0x0  }
0x32: {  	[sflag:s3] =	ssyncadd.s32 $0xFFFFFF80  }
0x33: {  	[tilespmem:s6], [sflag:$0x2] =	stream.linear.gather [hbm4b:s5+s2], $0x80, $0x38;
	[tilespmem:$0x4200] =	vst v63  }
0x34: {  	_ =	swait.ge [sflag:s3], $0x80  }
0x35: {  	[sflag:s3] =	ssyncset.done $0x0  }
0x36: {  	[sflag:s3] =	ssyncadd.s32 $0xFFFFFF80  }
0x37: {  	[tilespmem:s8], [sflag:$0x2] =	stream.linear.gather [hbm4b:s7+s2], $0x80, $0x38;
	[tilespmem:$0x4200] =	vst v63  }
0x38: {  	_ =	swait.ge [sflag:s3], $0x80  }
0x39: {  	[sflag:s3] =	ssyncset.done $0x0  }
0x3a: {  	[sflag:s3] =	ssyncadd.s32 $0xFFFFFF80  }
0x3b: {  	[tilespmem:s10], [sflag:$0x2] =	stream.linear.gather [hbm4b:s9+s2], $0x80, $0x38;
	[tilespmem:$0x4200] =	vst v63  }
0x3c: {  	_ =	swait.ge [sflag:s3], $0x80  }
0x3d: {  	[sflag:s3] =	ssyncset.done $0x0  }
0x3e: {  	[sflag:s3] =	ssyncadd.s32 $0xFFFFFF80  }
0x3f: {  	[tilespmem:s12], [sflag:$0x1] =	stream.indirect.gather [hbm4b:s11+s6], $0x20, s2, s6, $0xb8;
	[tilespmem:$0x4200] =	vst v63  }
0x40: {  	_ = 	snop  }
0x41: {  	[tilespmem:s13], [sflag:$0x1] =	stream.indirect.gather [hbm4b:s11+s6], $0x20, s6, s6, $0xb8;
	[tilespmem:$0x4200] =	vst v63  }
0x42: {  	_ = 	snop  }
0x43: {  	[tilespmem:s14], [sflag:$0x1] =	stream.indirect.gather [hbm4b:s11+s6], $0x20, s8, s6, $0xb8;
	[tilespmem:$0x4200] =	vst v63  }
0x44: {  	_ = 	snop  }
0x45: {  	[tilespmem:s15], [sflag:$0x1] =	stream.indirect.gather [hbm4b:s11+s6], $0x20, s10, s6, $0xb8;
	[tilespmem:$0x4200] =	vst v63  }
0x46: {  	_ =	swait.ge [sflag:s16], $0x1000  }
0x47: {  	[sflag:s16] =	ssyncset.done $0x0  }
0x48: {  	[sflag:s16] =	ssyncadd.s32 $0xFFFFF000  }
0x49: {  	_ =	swait.ge [sflag:s16], $0x1000  }
0x4a: {  	[sflag:s16] =	ssyncset.done $0x0  }
0x4b: {  	[sflag:s16] =	ssyncadd.s32 $0xFFFFF000  }
0x4c: {  	_ =	swait.ge [sflag:s16], $0x1000  }
0x4d: {  	[sflag:s16] =	ssyncset.done $0x0  }
0x4e: {  	[sflag:s16] =	ssyncadd.s32 $0xFFFFF000  }
0x4f: {  	_ =	swait.ge [sflag:s16], $0x1000  }
.Ltmp1:
0x50: {  	[sflag:s16] =	ssyncset.done $0x0;
	(pc) =	sbr.rel @p0 .LBB2_1-.Ltmp1, $4  }
0x51: {  	[sflag:s16] =	ssyncadd.s32 $0xFFFFF000  }
0x52: {  	[hbm4b:s17+s2] =	stream.linear.scatter [tilespmem:s12], [sflag:$0x2], $0x4000, $0x38;
	[tilespmem:$0x4200] =	vst v63  }
0x53: {  	_ =	swait.ge [sflag:s3], $0x4000  }
0x54: {  	[sflag:s3] =	ssyncset.done $0x0  }
.LBB2_2:
0x55: {  	[sflag:s3] =	ssyncadd.s32 $0xFFFFC000  }
0x56: {  	_ =	sfence.sel $0x180000  }
0x57: {  	[bflag:$0x0] =	sbarrier.arrive $0xFFFF  }
0x58: {  	p0 =	sne.s32 s0, $0x0;
	_ =	strace $0x90000047  }
0x59: {  	s0 =	sadd.s32 @!p0 $0x100000, s1;
	[bflag:$0x2] =	sbarrier.arrive $0xFFFF  }
0x5a: {  	[sflag:s0] =	ssyncadd.tile.s32 @!p0 $0x1;
	_ =	shalt  }
.Lfunc_end2:
_tile_overlayer_lowered:
.L_overlay_start_2:
0x5b: {  	(tag) =	ssettag $0x2  }
0x5c: {  	s0 =	rddreg [dreg:$0x0];
	s2 =	stileid.u32  }
0x5d: {  	s1 =	rddreg [dreg:$0x1];
	p0 =	sne.s32 s2, $0x0  }
0x5e: {  	s3 =	rddreg [dreg:$0x2];
	[bflag:$0x3] =	sbarrier.arrive $0xFFFF;
	s2 =	simm.s32 @!p0 $0x1C02  }
0x5f: {  	[timem:s3], [sflag:s2] =	dma.local @!p0 [hbm:s0], s1  }
0x60: {  	s0 =	simm.s32 @!p0 $0x2  }
0x61: {  	_ =	swait.ge @!p0 [sflag:s0], s1  }
0x62: {  	s1 =	ssub.s32 @!p0 $0x0, s1;
	[sflag:s0] =	ssyncset.done @!p0 $0x0  }
0x63: {  	[sflag:s0] =	ssyncadd.s32 @!p0 s1  }
0x64: {  	[bflag:$0x3] =	sbarrier.arrive $0xFFFF  }
0x65: {  	_ =	shalt  }

</sc_bundles>
